<compile_context>
chip_gen: v7x
topology: tpu7x:2x2x1
jax: 0.10.2.dev20260603
libtpu: 0.0.44.dev20260713+nightly
codegen_flags: <defaults>
</compile_context>

<pallas_src>
import jax
import jax.numpy as jnp
from jax import lax
from jax.experimental import pallas as pl
from jax.experimental.pallas import tpu as pltpu

B = 64
V = 100000
D = 768
NB = 16
NGRAM = 4
SEED = 42
BIAS = 2.0
TOP_P = 0.9

NPAD = 131072
ROWS = 1024
COLS = 128
LOGN = 17

_I32 = jnp.int32


def _tf_scalar(k0, k1, x0, x1):
    ks2 = k0 ^ k1 ^ _I32(0x1BD11BDA)
    rots = [[13, 15, 26, 6], [17, 29, 16, 24], [13, 15, 26, 6],
            [17, 29, 16, 24], [13, 15, 26, 6]]
    keys = [(k1, ks2), (ks2, k0), (k0, k1), (k1, ks2), (ks2, k0)]
    x0 = x0 + k0
    x1 = x1 + k1
    for i in range(5):
        for r in rots[i]:
            x0 = x0 + x1
            x1 = ((x1 << r) | lax.shift_right_logical(x1, 32 - r)) ^ x0
        x0 = x0 + keys[i][0]
        x1 = x1 + keys[i][1] + _I32(i + 1)
    return x0, x1


def _main_kernel(keymat_ref, scores_ref, out_ref, keys_ref):
    b = pl.program_id(0)
    k2_0 = keymat_ref[b, 0]
    k2_1 = keymat_ref[b, 1]
    sk0 = keymat_ref[b, 2]
    sk1 = keymat_ref[b, 3]

    rr = lax.broadcasted_iota(_I32, (ROWS, COLS), 0)
    cc = lax.broadcasted_iota(_I32, (ROWS, COLS), 1)
    J = rr * COLS + cc

    zv = jnp.zeros((ROWS, COLS), _I32)
    y0, y1 = _tf_scalar(k2_0, k2_1, zv, J)
    green = ((y0 ^ y1) & 1).astype(jnp.float32)

    logits = scores_ref[0] + jnp.float32(BIAS) * green
    m = jnp.max(logits)
    e = jnp.exp(logits - m)
    z = jnp.sum(e)
    probs = e / z

    okeys = pltpu.bitcast(probs, _I32)

    def _lane_cx(ka, d, dk):
        up = (J & d) == 0
        sel = up == dk
        kp = jnp.where(up, pltpu.roll(ka, COLS - d, 1),
                       pltpu.roll(ka, d, 1))
        return jnp.where(sel, jnp.maximum(ka, kp), jnp.minimum(ka, kp))

    ka0 = okeys
    for p in range(7):
        dk = (J & (1 << (p + 1))) == 0
        for q in range(p + 1):
            ka0 = _lane_cx(ka0, 1 << (p - q), dk)
    keys_ref[...] = ka0

    def phase_body(p, _):
        k = lax.shift_left(_I32(1), p + 1)
        dk = (J & k) == 0

        def _sub_cx(ka, d):
            dd = lax.shift_right_logical(d, 7)
            up = (J & d) == 0
            sel = up == dk
            kp = jnp.where(up, pltpu.roll(ka, ROWS - dd, 0),
                           pltpu.roll(ka, dd, 0))
            return jnp.where(sel, jnp.maximum(ka, kp), jnp.minimum(ka, kp))

        def pair_stage(i, __):
            d1 = lax.shift_left(_I32(1), p - 2 * i)
            ka = _sub_cx(keys_ref[...], d1)
            keys_ref[...] = _sub_cx(ka, lax.shift_right_logical(d1, 1))
            return 0

        def sub_stage(q, __):
            d = lax.shift_left(_I32(1), p - q)
            keys_ref[...] = _sub_cx(keys_ref[...], d)
            return 0

        nsub = p - 6
        npairs = lax.shift_right_logical(nsub, 1)
        lax.fori_loop(0, npairs, pair_stage, 0)
        lax.fori_loop(2 * npairs, nsub, sub_stage, 0)

        ka = keys_ref[...]
        for d in (64, 32, 16, 8, 4, 2, 1):
            ka = _lane_cx(ka, d, dk)
        keys_ref[...] = ka
        return 0

    lax.fori_loop(7, LOGN, phase_body, 0)

    sp = pltpu.bitcast(keys_ref[...], jnp.float32)

    s1 = sp
    for t in (1, 2, 4, 8, 16, 32, 64):
        s1 = s1 + jnp.where(cc >= t, pltpu.roll(s1, t, 1), 0.0)
    rtot = s1[:, COLS - 1:COLS]
    rc = lax.broadcasted_iota(_I32, (ROWS, 1), 0)
    c = rtot
    for t in (1, 2, 4, 8, 16, 32, 64, 128, 256, 512):
        c = c + jnp.where(rc >= t, pltpu.roll(c, t, 0), 0.0)
    cum = s1 + (c - rtot)

    cutoff = jnp.sum((cum < jnp.float32(TOP_P)).astype(_I32))
    kept = J <= cutoff
    s_tot = jnp.sum(jnp.where(kept, sp, 0.0))

    u0, u1 = _tf_scalar(sk0, sk1, zv, J)
    bits = u0 ^ u1
    fl = pltpu.bitcast(lax.shift_right_logical(bits, 9) | _I32(0x3F800000),
                       jnp.float32) - jnp.float32(1.0)
    tiny = jnp.float32(jnp.finfo(jnp.float32).tiny)
    u = jnp.maximum(tiny, fl * (jnp.float32(1.0) - tiny) + tiny)
    gum = -jnp.log(-jnp.log(u))

    val = jnp.where(kept, jnp.log(sp / s_tot), -jnp.inf) + gum
    vmax = jnp.max(val)
    win = jnp.min(jnp.where(val == vmax, J, _I32(2 ** 30)))

    kstar = jnp.sum(jnp.where(J == win, keys_ref[...], 0))
    first = jnp.sum((okeys > kstar).astype(_I32))
    occ = (win - first).astype(jnp.float32)
    eq = (okeys == kstar).astype(jnp.float32)
    e1 = eq
    for t in (1, 2, 4, 8, 16, 32, 64):
        e1 = e1 + jnp.where(cc >= t, pltpu.roll(e1, t, 1), 0.0)
    etot = e1[:, COLS - 1:COLS]
    ec = etot
    for t in (1, 2, 4, 8, 16, 32, 64, 128, 256, 512):
        ec = ec + jnp.where(rc >= t, pltpu.roll(ec, t, 0), 0.0)
    ecum_excl = e1 + (ec - etot) - eq
    next_token = jnp.sum(jnp.where((eq > 0) & (ecum_excl == occ), J, 0))

    out_ref[0] = jnp.where(J == next_token, jnp.float32(1e5), jnp.float32(1e-5))


def _tfv(k0, k1, x0, x1):
    u = jnp.uint32
    ks2 = k0 ^ k1 ^ u(0x1BD11BDA)
    rots = [[13, 15, 26, 6], [17, 29, 16, 24], [13, 15, 26, 6],
            [17, 29, 16, 24], [13, 15, 26, 6]]
    keys = [(k1, ks2), (ks2, k0), (k0, k1), (k1, ks2), (ks2, k0)]
    x0 = x0 + k0
    x1 = x1 + k1
    for i in range(5):
        for r in rots[i]:
            x0 = x0 + x1
            x1 = ((x1 << u(r)) | (x1 >> u(32 - r))) ^ x0
        x0 = x0 + keys[i][0]
        x1 = x1 + keys[i][1] + u(i + 1)
    return x0, x1


@jax.jit
def kernel(input_ids, scores, embed_table, random_vectors):
    tails = input_ids[:, -(NGRAM - 1):]
    scores_p = jnp.pad(scores, ((0, 0), (0, NPAD - V)),
                       constant_values=-1e30).reshape(B, ROWS, COLS)

    input_vec = jnp.take(embed_table, tails, axis=0).mean(axis=1)
    projections = input_vec @ random_vectors.T
    binary = (projections > 0).astype(jnp.int32)
    simhash_seed = SEED + jnp.sum(
        binary * (2 ** jnp.arange(NB, dtype=jnp.int32)), axis=1)
    seed_u = simhash_seed.astype(jnp.uint32)
    z = jnp.zeros_like(seed_u)
    gk0, gk1 = _tfv(jnp.uint32(0), jnp.uint32(SEED), z, seed_u)
    k2_0, k2_1 = _tfv(gk0, gk1, z, jnp.ones_like(seed_u))
    bidx = jnp.arange(B, dtype=jnp.uint32)
    sk0, sk1 = _tfv(jnp.uint32(0), jnp.uint32(123), z, bidx)
    keymat = lax.bitcast_convert_type(
        jnp.stack([k2_0, k2_1, sk0, sk1], axis=1), jnp.int32)

    out = pl.pallas_call(
        _main_kernel,
        grid=(B,),
        in_specs=[
            pl.BlockSpec(memory_space=pltpu.SMEM),
            pl.BlockSpec((1, ROWS, COLS), lambda b: (b, 0, 0)),
        ],
        out_specs=pl.BlockSpec((1, ROWS, COLS), lambda b: (b, 0, 0)),
        out_shape=jax.ShapeDtypeStruct((B, ROWS, COLS), jnp.float32),
        scratch_shapes=[
            pltpu.VMEM((ROWS, COLS), _I32),
        ],
    )(keymat, scores_p)

    return out.reshape(B, NPAD)[:, :V]

# --- scband reference (transcript-rebuilt; emitter-appended) ---
"""Pipeline reference for scband-sim-soft-red-processor-70291434766371 (READ-ONLY COPY).

The authoritative reference and input builder live on the scoring server;
editing this copy changes nothing except your own understanding.
"""

import jax, jax.numpy as jnp
import numpy as np

B = 64
V = 100000
SEQ = 2048
D = 768
NB = 16
NGRAM = 4
SEED = 42
BIAS = 2.0
TOP_P = 0.9


def setup_inputs(seed: int = 0) -> dict:
    key = jax.random.key(seed)
    k1, k2, k3, k4 = jax.random.split(key, 4)
    input_ids = jax.random.randint(k1, (B, SEQ), 0, V, dtype=jnp.int32)
    scores = jax.random.normal(k2, (B, V), dtype=jnp.float32)
    # stand-in for transformer_model.encode: embedding table + mean pool over n-gram tail
    embed_table = jax.random.normal(k3, (V, D), dtype=jnp.float32) * 0.02
    # stand-in for rng.standard_normal((b, embed_dim)) inside simhash_generate_green
    random_vectors = jax.random.normal(k4, (NB, D), dtype=jnp.float32)
    return {"input_ids": input_ids, "scores": scores, "embed_table": embed_table, "random_vectors": random_vectors}


def _process_one(ids_tail, logits_row, embed_table, random_vectors, sample_key):
    # transformer_model.encode(input_text) stand-in: mean-pooled token embeddings
    input_vector = jnp.take(embed_table, ids_tail, axis=0).mean(axis=0)
    # simhash_generate_green
    projections = random_vectors @ input_vector
    binary = (projections > 0).astype(jnp.int32)
    # sha256-of-bits stand-in: pack sign bits into an integer and fold into a PRNG key
    simhash_seed = SEED + jnp.sum(binary * (2 ** jnp.arange(NB, dtype=jnp.int32)))
    gk = jax.random.fold_in(jax.random.key(SEED), simhash_seed)
    green = jax.random.randint(gk, (V,), 0, 2).astype(logits_row.dtype)
    # adjust_logits
    logits = logits_row + BIAS * green
    probs = jax.nn.softmax(logits, axis=-1)
    # top_p_sampling
    order = jnp.argsort(-probs)
    sorted_probs = probs[order]
    cumulative = jnp.cumsum(sorted_probs)
    cutoff = jnp.searchsorted(cumulative, TOP_P, side='left')
    sorted_probs = jnp.where(jnp.arange(V) <= cutoff, sorted_probs, 0.0)
    sorted_probs = sorted_probs / sorted_probs.sum()
    sorted_probs = jnp.where(jnp.isfinite(sorted_probs), sorted_probs, 0.0)
    idx = jax.random.categorical(sample_key, jnp.log(sorted_probs))
    next_token = order[idx]
    # logits[:] = 1e-5; logits[next_token] = 1e5
    out = jnp.full((V,), 1e-05, dtype=logits_row.dtype).at[next_token].set(100000.0)
    return out


def reference(input_ids, scores, embed_table, random_vectors):
    tails = input_ids[:, -(NGRAM - 1):]
    keys = jax.vmap(lambda i: jax.random.fold_in(jax.random.key(123), i))(jnp.arange(B))
    return jax.vmap(_process_one, in_axes=(0, 0, None, None, 0))(tails, scores, embed_table, random_vectors, keys)

if __name__ == "__main__":
    import jax
    _d = setup_inputs()
    print(jax.jit(kernel)(*tuple(_d.values())))

</pallas_src>

<mosaic_0001>
module attributes {stable_mosaic.version = 14 : i64} {
  func.func @_main_kernel(%arg0: i32, %arg1: memref<64x4xi32, #tpu.memory_space<smem>>, %arg2: memref<1x1024x128xf32, #tpu.memory_space<vmem>>, %arg3: memref<1x1024x128xf32, #tpu.memory_space<vmem>>, %arg4: memref<1024x128xi32, #tpu.memory_space<vmem>>) attributes {dimension_semantics = [#tpu.dimension_semantics<arbitrary>], iteration_bounds = array<i64: 64>, scalar_prefetch = 0 : i64, scratch_operands = 1 : i64, tpu.core_type = #tpu.core_type<tc>, window_params = [{transform_indices = @transform_0, window_bounds = array<i64: 64, 4>}, {transform_indices = @transform_1, window_bounds = array<i64: 1, 1024, 128>}, {transform_indices = @transform_2, window_bounds = array<i64: 1, 1024, 128>}]} {
    %get3A = arith.index_cast %arg0 : i32 to index
    %get3A_0 = arith.constant 0 : index
    %get3A_1 = memref.load %arg1[%get3A, %get3A_0] : memref<64x4xi32, #tpu.memory_space<smem>>
    %get3A_2 = arith.index_cast %arg0 : i32 to index
    %get3A_3 = arith.constant 1 : index
    %get3A_4 = memref.load %arg1[%get3A_2, %get3A_3] : memref<64x4xi32, #tpu.memory_space<smem>>
    %get3A_5 = arith.index_cast %arg0 : i32 to index
    %get3A_6 = arith.constant 2 : index
    %get3A_7 = memref.load %arg1[%get3A_5, %get3A_6] : memref<64x4xi32, #tpu.memory_space<smem>>
    %get3A_8 = arith.index_cast %arg0 : i32 to index
    %get3A_9 = arith.constant 3 : index
    %get3A_10 = memref.load %arg1[%get3A_8, %get3A_9] : memref<64x4xi32, #tpu.memory_space<smem>>
    %iota3A = tpu.iota {dimensions = array<i32: 0>} : vector<1024x128xi32>
    %iota3A_11 = tpu.iota {dimensions = array<i32: 1>} : vector<1024x128xi32>
    %mul3A = arith.constant 128 : i32
    %mul3A_12 = vector.broadcast %mul3A : i32 to vector<1024x128xi32>
    %mul3A_13 = arith.muli %iota3A, %mul3A_12 : vector<1024x128xi32>
    %add3A = arith.addi %mul3A_13, %iota3A_11 : vector<1024x128xi32>
    %broadcast_in_dim3A = arith.constant 0 : i32
    %broadcast_in_dim3A_14 = vector.broadcast %broadcast_in_dim3A : i32 to vector<1024x128xi32>
    %xor3A = arith.xori %get3A_1, %get3A_4 : i32
    %xor3A_15 = arith.constant 466688986 : i32
    %xor3A_16 = arith.xori %xor3A, %xor3A_15 : i32
    %add3A_17 = vector.broadcast %get3A_1 : i32 to vector<1024x128xi32>
    %add3A_18 = arith.addi %broadcast_in_dim3A_14, %add3A_17 : vector<1024x128xi32>
    %add3A_19 = vector.broadcast %get3A_4 : i32 to vector<1024x128xi32>
    %add3A_20 = arith.addi %add3A, %add3A_19 : vector<1024x128xi32>
    %add3A_21 = arith.addi %add3A_18, %add3A_20 : vector<1024x128xi32>
    %shift_left3A = arith.constant 13 : i32
    %shift_left3A_22 = vector.broadcast %shift_left3A : i32 to vector<1024x128xi32>
    %shift_left3A_23 = arith.shli %add3A_20, %shift_left3A_22 : vector<1024x128xi32>
    %shift_right_logical3A = arith.constant 19 : i32
    %shift_right_logical3A_24 = vector.broadcast %shift_right_logical3A : i32 to vector<1024x128xi32>
    %shift_right_logical3A_25 = arith.shrui %add3A_20, %shift_right_logical3A_24 : vector<1024x128xi32>
    %or3A = arith.ori %shift_left3A_23, %shift_right_logical3A_25 : vector<1024x128xi32>
    %xor3A_26 = arith.xori %or3A, %add3A_21 : vector<1024x128xi32>
    %add3A_27 = arith.addi %add3A_21, %xor3A_26 : vector<1024x128xi32>
    %shift_left3A_28 = arith.constant 15 : i32
    %shift_left3A_29 = vector.broadcast %shift_left3A_28 : i32 to vector<1024x128xi32>
    %shift_left3A_30 = arith.shli %xor3A_26, %shift_left3A_29 : vector<1024x128xi32>
    %shift_right_logical3A_31 = arith.constant 17 : i32
    %shift_right_logical3A_32 = vector.broadcast %shift_right_logical3A_31 : i32 to vector<1024x128xi32>
    %shift_right_logical3A_33 = arith.shrui %xor3A_26, %shift_right_logical3A_32 : vector<1024x128xi32>
    %or3A_34 = arith.ori %shift_left3A_30, %shift_right_logical3A_33 : vector<1024x128xi32>
    %xor3A_35 = arith.xori %or3A_34, %add3A_27 : vector<1024x128xi32>
    %add3A_36 = arith.addi %add3A_27, %xor3A_35 : vector<1024x128xi32>
    %shift_left3A_37 = arith.constant 26 : i32
    %shift_left3A_38 = vector.broadcast %shift_left3A_37 : i32 to vector<1024x128xi32>
    %shift_left3A_39 = arith.shli %xor3A_35, %shift_left3A_38 : vector<1024x128xi32>
    %shift_right_logical3A_40 = arith.constant 6 : i32
    %shift_right_logical3A_41 = vector.broadcast %shift_right_logical3A_40 : i32 to vector<1024x128xi32>
    %shift_right_logical3A_42 = arith.shrui %xor3A_35, %shift_right_logical3A_41 : vector<1024x128xi32>
    %or3A_43 = arith.ori %shift_left3A_39, %shift_right_logical3A_42 : vector<1024x128xi32>
    %xor3A_44 = arith.xori %or3A_43, %add3A_36 : vector<1024x128xi32>
    %add3A_45 = arith.addi %add3A_36, %xor3A_44 : vector<1024x128xi32>
    %shift_left3A_46 = arith.constant 6 : i32
    %shift_left3A_47 = vector.broadcast %shift_left3A_46 : i32 to vector<1024x128xi32>
    %shift_left3A_48 = arith.shli %xor3A_44, %shift_left3A_47 : vector<1024x128xi32>
    %shift_right_logical3A_49 = arith.constant 26 : i32
    %shift_right_logical3A_50 = vector.broadcast %shift_right_logical3A_49 : i32 to vector<1024x128xi32>
    %shift_right_logical3A_51 = arith.shrui %xor3A_44, %shift_right_logical3A_50 : vector<1024x128xi32>
    %or3A_52 = arith.ori %shift_left3A_48, %shift_right_logical3A_51 : vector<1024x128xi32>
    %xor3A_53 = arith.xori %or3A_52, %add3A_45 : vector<1024x128xi32>
    %add3A_54 = vector.broadcast %get3A_4 : i32 to vector<1024x128xi32>
    %add3A_55 = arith.addi %add3A_45, %add3A_54 : vector<1024x128xi32>
    %add3A_56 = vector.broadcast %xor3A_16 : i32 to vector<1024x128xi32>
    %add3A_57 = arith.addi %xor3A_53, %add3A_56 : vector<1024x128xi32>
    %add3A_58 = arith.constant 1 : i32
    %add3A_59 = vector.broadcast %add3A_58 : i32 to vector<1024x128xi32>
    %add3A_60 = arith.addi %add3A_57, %add3A_59 : vector<1024x128xi32>
    %add3A_61 = arith.addi %add3A_55, %add3A_60 : vector<1024x128xi32>
    %shift_left3A_62 = arith.constant 17 : i32
    %shift_left3A_63 = vector.broadcast %shift_left3A_62 : i32 to vector<1024x128xi32>
    %shift_left3A_64 = arith.shli %add3A_60, %shift_left3A_63 : vector<1024x128xi32>
    %shift_right_logical3A_65 = arith.constant 15 : i32
    %shift_right_logical3A_66 = vector.broadcast %shift_right_logical3A_65 : i32 to vector<1024x128xi32>
    %shift_right_logical3A_67 = arith.shrui %add3A_60, %shift_right_logical3A_66 : vector<1024x128xi32>
    %or3A_68 = arith.ori %shift_left3A_64, %shift_right_logical3A_67 : vector<1024x128xi32>
    %xor3A_69 = arith.xori %or3A_68, %add3A_61 : vector<1024x128xi32>
    %add3A_70 = arith.addi %add3A_61, %xor3A_69 : vector<1024x128xi32>
    %shift_left3A_71 = arith.constant 29 : i32
    %shift_left3A_72 = vector.broadcast %shift_left3A_71 : i32 to vector<1024x128xi32>
    %shift_left3A_73 = arith.shli %xor3A_69, %shift_left3A_72 : vector<1024x128xi32>
    %shift_right_logical3A_74 = arith.constant 3 : i32
    %shift_right_logical3A_75 = vector.broadcast %shift_right_logical3A_74 : i32 to vector<1024x128xi32>
    %shift_right_logical3A_76 = arith.shrui %xor3A_69, %shift_right_logical3A_75 : vector<1024x128xi32>
    %or3A_77 = arith.ori %shift_left3A_73, %shift_right_logical3A_76 : vector<1024x128xi32>
    %xor3A_78 = arith.xori %or3A_77, %add3A_70 : vector<1024x128xi32>
    %add3A_79 = arith.addi %add3A_70, %xor3A_78 : vector<1024x128xi32>
    %shift_left3A_80 = arith.constant 16 : i32
    %shift_left3A_81 = vector.broadcast %shift_left3A_80 : i32 to vector<1024x128xi32>
    %shift_left3A_82 = arith.shli %xor3A_78, %shift_left3A_81 : vector<1024x128xi32>
    %shift_right_logical3A_83 = arith.constant 16 : i32
    %shift_right_logical3A_84 = vector.broadcast %shift_right_logical3A_83 : i32 to vector<1024x128xi32>
    %shift_right_logical3A_85 = arith.shrui %xor3A_78, %shift_right_logical3A_84 : vector<1024x128xi32>
    %or3A_86 = arith.ori %shift_left3A_82, %shift_right_logical3A_85 : vector<1024x128xi32>
    %xor3A_87 = arith.xori %or3A_86, %add3A_79 : vector<1024x128xi32>
    %add3A_88 = arith.addi %add3A_79, %xor3A_87 : vector<1024x128xi32>
    %shift_left3A_89 = arith.constant 24 : i32
    %shift_left3A_90 = vector.broadcast %shift_left3A_89 : i32 to vector<1024x128xi32>
    %shift_left3A_91 = arith.shli %xor3A_87, %shift_left3A_90 : vector<1024x128xi32>
    %shift_right_logical3A_92 = arith.constant 8 : i32
    %shift_right_logical3A_93 = vector.broadcast %shift_right_logical3A_92 : i32 to vector<1024x128xi32>
    %shift_right_logical3A_94 = arith.shrui %xor3A_87, %shift_right_logical3A_93 : vector<1024x128xi32>
    %or3A_95 = arith.ori %shift_left3A_91, %shift_right_logical3A_94 : vector<1024x128xi32>
    %xor3A_96 = arith.xori %or3A_95, %add3A_88 : vector<1024x128xi32>
    %add3A_97 = vector.broadcast %xor3A_16 : i32 to vector<1024x128xi32>
    %add3A_98 = arith.addi %add3A_88, %add3A_97 : vector<1024x128xi32>
    %add3A_99 = vector.broadcast %get3A_1 : i32 to vector<1024x128xi32>
    %add3A_100 = arith.addi %xor3A_96, %add3A_99 : vector<1024x128xi32>
    %add3A_101 = arith.constant 2 : i32
    %add3A_102 = vector.broadcast %add3A_101 : i32 to vector<1024x128xi32>
    %add3A_103 = arith.addi %add3A_100, %add3A_102 : vector<1024x128xi32>
    %add3A_104 = arith.addi %add3A_98, %add3A_103 : vector<1024x128xi32>
    %shift_left3A_105 = arith.constant 13 : i32
    %shift_left3A_106 = vector.broadcast %shift_left3A_105 : i32 to vector<1024x128xi32>
    %shift_left3A_107 = arith.shli %add3A_103, %shift_left3A_106 : vector<1024x128xi32>
    %shift_right_logical3A_108 = arith.constant 19 : i32
    %shift_right_logical3A_109 = vector.broadcast %shift_right_logical3A_108 : i32 to vector<1024x128xi32>
    %shift_right_logical3A_110 = arith.shrui %add3A_103, %shift_right_logical3A_109 : vector<1024x128xi32>
    %or3A_111 = arith.ori %shift_left3A_107, %shift_right_logical3A_110 : vector<1024x128xi32>
    %xor3A_112 = arith.xori %or3A_111, %add3A_104 : vector<1024x128xi32>
    %add3A_113 = arith.addi %add3A_104, %xor3A_112 : vector<1024x128xi32>
    %shift_left3A_114 = arith.constant 15 : i32
    %shift_left3A_115 = vector.broadcast %shift_left3A_114 : i32 to vector<1024x128xi32>
    %shift_left3A_116 = arith.shli %xor3A_112, %shift_left3A_115 : vector<1024x128xi32>
    %shift_right_logical3A_117 = arith.constant 17 : i32
    %shift_right_logical3A_118 = vector.broadcast %shift_right_logical3A_117 : i32 to vector<1024x128xi32>
    %shift_right_logical3A_119 = arith.shrui %xor3A_112, %shift_right_logical3A_118 : vector<1024x128xi32>
    %or3A_120 = arith.ori %shift_left3A_116, %shift_right_logical3A_119 : vector<1024x128xi32>
    %xor3A_121 = arith.xori %or3A_120, %add3A_113 : vector<1024x128xi32>
    %add3A_122 = arith.addi %add3A_113, %xor3A_121 : vector<1024x128xi32>
    %shift_left3A_123 = arith.constant 26 : i32
    %shift_left3A_124 = vector.broadcast %shift_left3A_123 : i32 to vector<1024x128xi32>
    %shift_left3A_125 = arith.shli %xor3A_121, %shift_left3A_124 : vector<1024x128xi32>
    %shift_right_logical3A_126 = arith.constant 6 : i32
    %shift_right_logical3A_127 = vector.broadcast %shift_right_logical3A_126 : i32 to vector<1024x128xi32>
    %shift_right_logical3A_128 = arith.shrui %xor3A_121, %shift_right_logical3A_127 : vector<1024x128xi32>
    %or3A_129 = arith.ori %shift_left3A_125, %shift_right_logical3A_128 : vector<1024x128xi32>
    %xor3A_130 = arith.xori %or3A_129, %add3A_122 : vector<1024x128xi32>
    %add3A_131 = arith.addi %add3A_122, %xor3A_130 : vector<1024x128xi32>
    %shift_left3A_132 = arith.constant 6 : i32
    %shift_left3A_133 = vector.broadcast %shift_left3A_132 : i32 to vector<1024x128xi32>
    %shift_left3A_134 = arith.shli %xor3A_130, %shift_left3A_133 : vector<1024x128xi32>
    %shift_right_logical3A_135 = arith.constant 26 : i32
    %shift_right_logical3A_136 = vector.broadcast %shift_right_logical3A_135 : i32 to vector<1024x128xi32>
    %shift_right_logical3A_137 = arith.shrui %xor3A_130, %shift_right_logical3A_136 : vector<1024x128xi32>
    %or3A_138 = arith.ori %shift_left3A_134, %shift_right_logical3A_137 : vector<1024x128xi32>
    %xor3A_139 = arith.xori %or3A_138, %add3A_131 : vector<1024x128xi32>
    %add3A_140 = vector.broadcast %get3A_1 : i32 to vector<1024x128xi32>
    %add3A_141 = arith.addi %add3A_131, %add3A_140 : vector<1024x128xi32>
    %add3A_142 = vector.broadcast %get3A_4 : i32 to vector<1024x128xi32>
    %add3A_143 = arith.addi %xor3A_139, %add3A_142 : vector<1024x128xi32>
    %add3A_144 = arith.constant 3 : i32
    %add3A_145 = vector.broadcast %add3A_144 : i32 to vector<1024x128xi32>
    %add3A_146 = arith.addi %add3A_143, %add3A_145 : vector<1024x128xi32>
    %add3A_147 = arith.addi %add3A_141, %add3A_146 : vector<1024x128xi32>
    %shift_left3A_148 = arith.constant 17 : i32
    %shift_left3A_149 = vector.broadcast %shift_left3A_148 : i32 to vector<1024x128xi32>
    %shift_left3A_150 = arith.shli %add3A_146, %shift_left3A_149 : vector<1024x128xi32>
    %shift_right_logical3A_151 = arith.constant 15 : i32
    %shift_right_logical3A_152 = vector.broadcast %shift_right_logical3A_151 : i32 to vector<1024x128xi32>
    %shift_right_logical3A_153 = arith.shrui %add3A_146, %shift_right_logical3A_152 : vector<1024x128xi32>
    %or3A_154 = arith.ori %shift_left3A_150, %shift_right_logical3A_153 : vector<1024x128xi32>
    %xor3A_155 = arith.xori %or3A_154, %add3A_147 : vector<1024x128xi32>
    %add3A_156 = arith.addi %add3A_147, %xor3A_155 : vector<1024x128xi32>
    %shift_left3A_157 = arith.constant 29 : i32
    %shift_left3A_158 = vector.broadcast %shift_left3A_157 : i32 to vector<1024x128xi32>
    %shift_left3A_159 = arith.shli %xor3A_155, %shift_left3A_158 : vector<1024x128xi32>
    %shift_right_logical3A_160 = arith.constant 3 : i32
    %shift_right_logical3A_161 = vector.broadcast %shift_right_logical3A_160 : i32 to vector<1024x128xi32>
    %shift_right_logical3A_162 = arith.shrui %xor3A_155, %shift_right_logical3A_161 : vector<1024x128xi32>
    %or3A_163 = arith.ori %shift_left3A_159, %shift_right_logical3A_162 : vector<1024x128xi32>
    %xor3A_164 = arith.xori %or3A_163, %add3A_156 : vector<1024x128xi32>
    %add3A_165 = arith.addi %add3A_156, %xor3A_164 : vector<1024x128xi32>
    %shift_left3A_166 = arith.constant 16 : i32
    %shift_left3A_167 = vector.broadcast %shift_left3A_166 : i32 to vector<1024x128xi32>
    %shift_left3A_168 = arith.shli %xor3A_164, %shift_left3A_167 : vector<1024x128xi32>
    %shift_right_logical3A_169 = arith.constant 16 : i32
    %shift_right_logical3A_170 = vector.broadcast %shift_right_logical3A_169 : i32 to vector<1024x128xi32>
    %shift_right_logical3A_171 = arith.shrui %xor3A_164, %shift_right_logical3A_170 : vector<1024x128xi32>
    %or3A_172 = arith.ori %shift_left3A_168, %shift_right_logical3A_171 : vector<1024x128xi32>
    %xor3A_173 = arith.xori %or3A_172, %add3A_165 : vector<1024x128xi32>
    %add3A_174 = arith.addi %add3A_165, %xor3A_173 : vector<1024x128xi32>
    %shift_left3A_175 = arith.constant 24 : i32
    %shift_left3A_176 = vector.broadcast %shift_left3A_175 : i32 to vector<1024x128xi32>
    %shift_left3A_177 = arith.shli %xor3A_173, %shift_left3A_176 : vector<1024x128xi32>
    %shift_right_logical3A_178 = arith.constant 8 : i32
    %shift_right_logical3A_179 = vector.broadcast %shift_right_logical3A_178 : i32 to vector<1024x128xi32>
    %shift_right_logical3A_180 = arith.shrui %xor3A_173, %shift_right_logical3A_179 : vector<1024x128xi32>
    %or3A_181 = arith.ori %shift_left3A_177, %shift_right_logical3A_180 : vector<1024x128xi32>
    %xor3A_182 = arith.xori %or3A_181, %add3A_174 : vector<1024x128xi32>
    %add3A_183 = vector.broadcast %get3A_4 : i32 to vector<1024x128xi32>
    %add3A_184 = arith.addi %add3A_174, %add3A_183 : vector<1024x128xi32>
    %add3A_185 = vector.broadcast %xor3A_16 : i32 to vector<1024x128xi32>
    %add3A_186 = arith.addi %xor3A_182, %add3A_185 : vector<1024x128xi32>
    %add3A_187 = arith.constant 4 : i32
    %add3A_188 = vector.broadcast %add3A_187 : i32 to vector<1024x128xi32>
    %add3A_189 = arith.addi %add3A_186, %add3A_188 : vector<1024x128xi32>
    %add3A_190 = arith.addi %add3A_184, %add3A_189 : vector<1024x128xi32>
    %shift_left3A_191 = arith.constant 13 : i32
    %shift_left3A_192 = vector.broadcast %shift_left3A_191 : i32 to vector<1024x128xi32>
    %shift_left3A_193 = arith.shli %add3A_189, %shift_left3A_192 : vector<1024x128xi32>
    %shift_right_logical3A_194 = arith.constant 19 : i32
    %shift_right_logical3A_195 = vector.broadcast %shift_right_logical3A_194 : i32 to vector<1024x128xi32>
    %shift_right_logical3A_196 = arith.shrui %add3A_189, %shift_right_logical3A_195 : vector<1024x128xi32>
    %or3A_197 = arith.ori %shift_left3A_193, %shift_right_logical3A_196 : vector<1024x128xi32>
    %xor3A_198 = arith.xori %or3A_197, %add3A_190 : vector<1024x128xi32>
    %add3A_199 = arith.addi %add3A_190, %xor3A_198 : vector<1024x128xi32>
    %shift_left3A_200 = arith.constant 15 : i32
    %shift_left3A_201 = vector.broadcast %shift_left3A_200 : i32 to vector<1024x128xi32>
    %shift_left3A_202 = arith.shli %xor3A_198, %shift_left3A_201 : vector<1024x128xi32>
    %shift_right_logical3A_203 = arith.constant 17 : i32
    %shift_right_logical3A_204 = vector.broadcast %shift_right_logical3A_203 : i32 to vector<1024x128xi32>
    %shift_right_logical3A_205 = arith.shrui %xor3A_198, %shift_right_logical3A_204 : vector<1024x128xi32>
    %or3A_206 = arith.ori %shift_left3A_202, %shift_right_logical3A_205 : vector<1024x128xi32>
    %xor3A_207 = arith.xori %or3A_206, %add3A_199 : vector<1024x128xi32>
    %add3A_208 = arith.addi %add3A_199, %xor3A_207 : vector<1024x128xi32>
    %shift_left3A_209 = arith.constant 26 : i32
    %shift_left3A_210 = vector.broadcast %shift_left3A_209 : i32 to vector<1024x128xi32>
    %shift_left3A_211 = arith.shli %xor3A_207, %shift_left3A_210 : vector<1024x128xi32>
    %shift_right_logical3A_212 = arith.constant 6 : i32
    %shift_right_logical3A_213 = vector.broadcast %shift_right_logical3A_212 : i32 to vector<1024x128xi32>
    %shift_right_logical3A_214 = arith.shrui %xor3A_207, %shift_right_logical3A_213 : vector<1024x128xi32>
    %or3A_215 = arith.ori %shift_left3A_211, %shift_right_logical3A_214 : vector<1024x128xi32>
    %xor3A_216 = arith.xori %or3A_215, %add3A_208 : vector<1024x128xi32>
    %add3A_217 = arith.addi %add3A_208, %xor3A_216 : vector<1024x128xi32>
    %shift_left3A_218 = arith.constant 6 : i32
    %shift_left3A_219 = vector.broadcast %shift_left3A_218 : i32 to vector<1024x128xi32>
    %shift_left3A_220 = arith.shli %xor3A_216, %shift_left3A_219 : vector<1024x128xi32>
    %shift_right_logical3A_221 = arith.constant 26 : i32
    %shift_right_logical3A_222 = vector.broadcast %shift_right_logical3A_221 : i32 to vector<1024x128xi32>
    %shift_right_logical3A_223 = arith.shrui %xor3A_216, %shift_right_logical3A_222 : vector<1024x128xi32>
    %or3A_224 = arith.ori %shift_left3A_220, %shift_right_logical3A_223 : vector<1024x128xi32>
    %xor3A_225 = arith.xori %or3A_224, %add3A_217 : vector<1024x128xi32>
    %add3A_226 = vector.broadcast %xor3A_16 : i32 to vector<1024x128xi32>
    %add3A_227 = arith.addi %add3A_217, %add3A_226 : vector<1024x128xi32>
    %add3A_228 = vector.broadcast %get3A_1 : i32 to vector<1024x128xi32>
    %add3A_229 = arith.addi %xor3A_225, %add3A_228 : vector<1024x128xi32>
    %add3A_230 = arith.constant 5 : i32
    %add3A_231 = vector.broadcast %add3A_230 : i32 to vector<1024x128xi32>
    %add3A_232 = arith.addi %add3A_229, %add3A_231 : vector<1024x128xi32>
    %xor3A_233 = arith.xori %add3A_227, %add3A_232 : vector<1024x128xi32>
    %and3A = arith.constant 1 : i32
    %and3A_234 = vector.broadcast %and3A : i32 to vector<1024x128xi32>
    %and3A_235 = arith.andi %xor3A_233, %and3A_234 : vector<1024x128xi32>
    %convert_element_type3A = arith.sitofp %and3A_235 : vector<1024x128xi32> to vector<1024x128xf32>
    %get3A_236 = arith.constant 0 : index
    %get3A_237 = arith.constant 0 : index
    %get3A_238 = arith.constant 0 : index
    %get3A_239 = vector.load %arg2[%get3A_236, %get3A_237, %get3A_238] : memref<1x1024x128xf32, #tpu.memory_space<vmem>>, vector<1x1024x128xf32>
    %get3A_240 = vector.shape_cast %get3A_239 : vector<1x1024x128xf32> to vector<1024x128xf32>
    %mul3A_241 = arith.constant 2.000000e+00 : f32
    %mul3A_242 = vector.broadcast %mul3A_241 : f32 to vector<1024x128xf32>
    %mul3A_243 = arith.mulf %mul3A_242, %convert_element_type3A : vector<1024x128xf32>
    %add3A_244 = arith.addf %get3A_240, %mul3A_243 : vector<1024x128xf32>
    %reduce_max3A = vector.shape_cast %add3A_244 : vector<1024x128xf32> to vector<1x1024x128xf32>
    %reduce_max3A_245 = arith.constant dense<0xFF800000> : vector<1xf32>
    %reduce_max3A_246 = vector.multi_reduction <maximumf>, %reduce_max3A, %reduce_max3A_245 [1, 2] : vector<1x1024x128xf32> to vector<1xf32>
    %reduce_max3A_247 = vector.shape_cast %reduce_max3A_246 : vector<1xf32> to vector<1x1x1xf32>
    %reduce_max3A_248 = vector.extract %reduce_max3A_247[0, 0, 0] : f32 from vector<1x1x1xf32>
    %sub3A = vector.broadcast %reduce_max3A_248 : f32 to vector<1024x128xf32>
    %sub3A_249 = arith.subf %add3A_244, %sub3A : vector<1024x128xf32>
    %exp3A = math.exp %sub3A_249 : vector<1024x128xf32>
    %reduce_sum3A = vector.shape_cast %exp3A : vector<1024x128xf32> to vector<1x1024x128xf32>
    %reduce_sum3A_250 = arith.constant dense<0.000000e+00> : vector<1xf32>
    %reduce_sum3A_251 = vector.multi_reduction <add>, %reduce_sum3A, %reduce_sum3A_250 [1, 2] : vector<1x1024x128xf32> to vector<1xf32>
    %reduce_sum3A_252 = vector.shape_cast %reduce_sum3A_251 : vector<1xf32> to vector<1x1x1xf32>
    %reduce_sum3A_253 = vector.extract %reduce_sum3A_252[0, 0, 0] : f32 from vector<1x1x1xf32>
    %div3A = vector.broadcast %reduce_sum3A_253 : f32 to vector<1024x128xf32>
    %div3A_254 = arith.divf %exp3A, %div3A : vector<1024x128xf32>
    %bitcast3A = tpu.bitcast %div3A_254 : vector<1024x128xf32> -> vector<1024x128xi32>
    %and3A_255 = arith.constant 2 : i32
    %and3A_256 = vector.broadcast %and3A_255 : i32 to vector<1024x128xi32>
    %and3A_257 = arith.andi %add3A, %and3A_256 : vector<1024x128xi32>
    %eq3A = arith.constant 0 : i32
    %eq3A_258 = vector.broadcast %eq3A : i32 to vector<1024x128xi32>
    %eq3A_259 = arith.cmpi eq, %and3A_257, %eq3A_258 : vector<1024x128xi32>
    %and3A_260 = arith.constant 1 : i32
    %and3A_261 = vector.broadcast %and3A_260 : i32 to vector<1024x128xi32>
    %and3A_262 = arith.andi %add3A, %and3A_261 : vector<1024x128xi32>
    %eq3A_263 = arith.constant 0 : i32
    %eq3A_264 = vector.broadcast %eq3A_263 : i32 to vector<1024x128xi32>
    %eq3A_265 = arith.cmpi eq, %and3A_262, %eq3A_264 : vector<1024x128xi32>
    %eq3A_266 = arith.xori %eq3A_265, %eq3A_259 : vector<1024x128xi1>
    %eq3A_267 = arith.constant dense<true> : vector<1024x128xi1>
    %eq3A_268 = arith.xori %eq3A_266, %eq3A_267 : vector<1024x128xi1>
    %roll3A = arith.constant 127 : i32
    %roll3A_269 = tpu.dynamic_rotate %bitcast3A by %roll3A dim 1 : vector<1024x128xi32>, i32 -> vector<1024x128xi32>
    %roll3A_270 = arith.constant 1 : i32
    %roll3A_271 = tpu.dynamic_rotate %bitcast3A by %roll3A_270 dim 1 : vector<1024x128xi32>, i32 -> vector<1024x128xi32>
    %select_n3A = arith.select %eq3A_265, %roll3A_269, %roll3A_271 : vector<1024x128xi1>, vector<1024x128xi32>
    %max3A = arith.maxsi %bitcast3A, %select_n3A : vector<1024x128xi32>
    %min3A = arith.minsi %bitcast3A, %select_n3A : vector<1024x128xi32>
    %select_n3A_272 = arith.select %eq3A_268, %max3A, %min3A : vector<1024x128xi1>, vector<1024x128xi32>
    %and3A_273 = arith.constant 4 : i32
    %and3A_274 = vector.broadcast %and3A_273 : i32 to vector<1024x128xi32>
    %and3A_275 = arith.andi %add3A, %and3A_274 : vector<1024x128xi32>
    %eq3A_276 = arith.constant 0 : i32
    %eq3A_277 = vector.broadcast %eq3A_276 : i32 to vector<1024x128xi32>
    %eq3A_278 = arith.cmpi eq, %and3A_275, %eq3A_277 : vector<1024x128xi32>
    %and3A_279 = arith.constant 2 : i32
    %and3A_280 = vector.broadcast %and3A_279 : i32 to vector<1024x128xi32>
    %and3A_281 = arith.andi %add3A, %and3A_280 : vector<1024x128xi32>
    %eq3A_282 = arith.constant 0 : i32
    %eq3A_283 = vector.broadcast %eq3A_282 : i32 to vector<1024x128xi32>
    %eq3A_284 = arith.cmpi eq, %and3A_281, %eq3A_283 : vector<1024x128xi32>
    %eq3A_285 = arith.xori %eq3A_284, %eq3A_278 : vector<1024x128xi1>
    %eq3A_286 = arith.constant dense<true> : vector<1024x128xi1>
    %eq3A_287 = arith.xori %eq3A_285, %eq3A_286 : vector<1024x128xi1>
    %roll3A_288 = arith.constant 126 : i32
    %roll3A_289 = tpu.dynamic_rotate %select_n3A_272 by %roll3A_288 dim 1 : vector<1024x128xi32>, i32 -> vector<1024x128xi32>
    %roll3A_290 = arith.constant 2 : i32
    %roll3A_291 = tpu.dynamic_rotate %select_n3A_272 by %roll3A_290 dim 1 : vector<1024x128xi32>, i32 -> vector<1024x128xi32>
    %select_n3A_292 = arith.select %eq3A_284, %roll3A_289, %roll3A_291 : vector<1024x128xi1>, vector<1024x128xi32>
    %max3A_293 = arith.maxsi %select_n3A_272, %select_n3A_292 : vector<1024x128xi32>
    %min3A_294 = arith.minsi %select_n3A_272, %select_n3A_292 : vector<1024x128xi32>
    %select_n3A_295 = arith.select %eq3A_287, %max3A_293, %min3A_294 : vector<1024x128xi1>, vector<1024x128xi32>
    %and3A_296 = arith.constant 1 : i32
    %and3A_297 = vector.broadcast %and3A_296 : i32 to vector<1024x128xi32>
    %and3A_298 = arith.andi %add3A, %and3A_297 : vector<1024x128xi32>
    %eq3A_299 = arith.constant 0 : i32
    %eq3A_300 = vector.broadcast %eq3A_299 : i32 to vector<1024x128xi32>
    %eq3A_301 = arith.cmpi eq, %and3A_298, %eq3A_300 : vector<1024x128xi32>
    %eq3A_302 = arith.xori %eq3A_301, %eq3A_278 : vector<1024x128xi1>
    %eq3A_303 = arith.constant dense<true> : vector<1024x128xi1>
    %eq3A_304 = arith.xori %eq3A_302, %eq3A_303 : vector<1024x128xi1>
    %roll3A_305 = arith.constant 127 : i32
    %roll3A_306 = tpu.dynamic_rotate %select_n3A_295 by %roll3A_305 dim 1 : vector<1024x128xi32>, i32 -> vector<1024x128xi32>
    %roll3A_307 = arith.constant 1 : i32
    %roll3A_308 = tpu.dynamic_rotate %select_n3A_295 by %roll3A_307 dim 1 : vector<1024x128xi32>, i32 -> vector<1024x128xi32>
    %select_n3A_309 = arith.select %eq3A_301, %roll3A_306, %roll3A_308 : vector<1024x128xi1>, vector<1024x128xi32>
    %max3A_310 = arith.maxsi %select_n3A_295, %select_n3A_309 : vector<1024x128xi32>
    %min3A_311 = arith.minsi %select_n3A_295, %select_n3A_309 : vector<1024x128xi32>
    %select_n3A_312 = arith.select %eq3A_304, %max3A_310, %min3A_311 : vector<1024x128xi1>, vector<1024x128xi32>
    %and3A_313 = arith.constant 8 : i32
    %and3A_314 = vector.broadcast %and3A_313 : i32 to vector<1024x128xi32>
    %and3A_315 = arith.andi %add3A, %and3A_314 : vector<1024x128xi32>
    %eq3A_316 = arith.constant 0 : i32
    %eq3A_317 = vector.broadcast %eq3A_316 : i32 to vector<1024x128xi32>
    %eq3A_318 = arith.cmpi eq, %and3A_315, %eq3A_317 : vector<1024x128xi32>
    %and3A_319 = arith.constant 4 : i32
    %and3A_320 = vector.broadcast %and3A_319 : i32 to vector<1024x128xi32>
    %and3A_321 = arith.andi %add3A, %and3A_320 : vector<1024x128xi32>
    %eq3A_322 = arith.constant 0 : i32
    %eq3A_323 = vector.broadcast %eq3A_322 : i32 to vector<1024x128xi32>
    %eq3A_324 = arith.cmpi eq, %and3A_321, %eq3A_323 : vector<1024x128xi32>
    %eq3A_325 = arith.xori %eq3A_324, %eq3A_318 : vector<1024x128xi1>
    %eq3A_326 = arith.constant dense<true> : vector<1024x128xi1>
    %eq3A_327 = arith.xori %eq3A_325, %eq3A_326 : vector<1024x128xi1>
    %roll3A_328 = arith.constant 124 : i32
    %roll3A_329 = tpu.dynamic_rotate %select_n3A_312 by %roll3A_328 dim 1 : vector<1024x128xi32>, i32 -> vector<1024x128xi32>
    %roll3A_330 = arith.constant 4 : i32
    %roll3A_331 = tpu.dynamic_rotate %select_n3A_312 by %roll3A_330 dim 1 : vector<1024x128xi32>, i32 -> vector<1024x128xi32>
    %select_n3A_332 = arith.select %eq3A_324, %roll3A_329, %roll3A_331 : vector<1024x128xi1>, vector<1024x128xi32>
    %max3A_333 = arith.maxsi %select_n3A_312, %select_n3A_332 : vector<1024x128xi32>
    %min3A_334 = arith.minsi %select_n3A_312, %select_n3A_332 : vector<1024x128xi32>
    %select_n3A_335 = arith.select %eq3A_327, %max3A_333, %min3A_334 : vector<1024x128xi1>, vector<1024x128xi32>
    %and3A_336 = arith.constant 2 : i32
    %and3A_337 = vector.broadcast %and3A_336 : i32 to vector<1024x128xi32>
    %and3A_338 = arith.andi %add3A, %and3A_337 : vector<1024x128xi32>
    %eq3A_339 = arith.constant 0 : i32
    %eq3A_340 = vector.broadcast %eq3A_339 : i32 to vector<1024x128xi32>
    %eq3A_341 = arith.cmpi eq, %and3A_338, %eq3A_340 : vector<1024x128xi32>
    %eq3A_342 = arith.xori %eq3A_341, %eq3A_318 : vector<1024x128xi1>
    %eq3A_343 = arith.constant dense<true> : vector<1024x128xi1>
    %eq3A_344 = arith.xori %eq3A_342, %eq3A_343 : vector<1024x128xi1>
    %roll3A_345 = arith.constant 126 : i32
    %roll3A_346 = tpu.dynamic_rotate %select_n3A_335 by %roll3A_345 dim 1 : vector<1024x128xi32>, i32 -> vector<1024x128xi32>
    %roll3A_347 = arith.constant 2 : i32
    %roll3A_348 = tpu.dynamic_rotate %select_n3A_335 by %roll3A_347 dim 1 : vector<1024x128xi32>, i32 -> vector<1024x128xi32>
    %select_n3A_349 = arith.select %eq3A_341, %roll3A_346, %roll3A_348 : vector<1024x128xi1>, vector<1024x128xi32>
    %max3A_350 = arith.maxsi %select_n3A_335, %select_n3A_349 : vector<1024x128xi32>
    %min3A_351 = arith.minsi %select_n3A_335, %select_n3A_349 : vector<1024x128xi32>
    %select_n3A_352 = arith.select %eq3A_344, %max3A_350, %min3A_351 : vector<1024x128xi1>, vector<1024x128xi32>
    %and3A_353 = arith.constant 1 : i32
    %and3A_354 = vector.broadcast %and3A_353 : i32 to vector<1024x128xi32>
    %and3A_355 = arith.andi %add3A, %and3A_354 : vector<1024x128xi32>
    %eq3A_356 = arith.constant 0 : i32
    %eq3A_357 = vector.broadcast %eq3A_356 : i32 to vector<1024x128xi32>
    %eq3A_358 = arith.cmpi eq, %and3A_355, %eq3A_357 : vector<1024x128xi32>
    %eq3A_359 = arith.xori %eq3A_358, %eq3A_318 : vector<1024x128xi1>
    %eq3A_360 = arith.constant dense<true> : vector<1024x128xi1>
    %eq3A_361 = arith.xori %eq3A_359, %eq3A_360 : vector<1024x128xi1>
    %roll3A_362 = arith.constant 127 : i32
    %roll3A_363 = tpu.dynamic_rotate %select_n3A_352 by %roll3A_362 dim 1 : vector<1024x128xi32>, i32 -> vector<1024x128xi32>
    %roll3A_364 = arith.constant 1 : i32
    %roll3A_365 = tpu.dynamic_rotate %select_n3A_352 by %roll3A_364 dim 1 : vector<1024x128xi32>, i32 -> vector<1024x128xi32>
    %select_n3A_366 = arith.select %eq3A_358, %roll3A_363, %roll3A_365 : vector<1024x128xi1>, vector<1024x128xi32>
    %max3A_367 = arith.maxsi %select_n3A_352, %select_n3A_366 : vector<1024x128xi32>
    %min3A_368 = arith.minsi %select_n3A_352, %select_n3A_366 : vector<1024x128xi32>
    %select_n3A_369 = arith.select %eq3A_361, %max3A_367, %min3A_368 : vector<1024x128xi1>, vector<1024x128xi32>
    %and3A_370 = arith.constant 16 : i32
    %and3A_371 = vector.broadcast %and3A_370 : i32 to vector<1024x128xi32>
    %and3A_372 = arith.andi %add3A, %and3A_371 : vector<1024x128xi32>
    %eq3A_373 = arith.constant 0 : i32
    %eq3A_374 = vector.broadcast %eq3A_373 : i32 to vector<1024x128xi32>
    %eq3A_375 = arith.cmpi eq, %and3A_372, %eq3A_374 : vector<1024x128xi32>
    %and3A_376 = arith.constant 8 : i32
    %and3A_377 = vector.broadcast %and3A_376 : i32 to vector<1024x128xi32>
    %and3A_378 = arith.andi %add3A, %and3A_377 : vector<1024x128xi32>
    %eq3A_379 = arith.constant 0 : i32
    %eq3A_380 = vector.broadcast %eq3A_379 : i32 to vector<1024x128xi32>
    %eq3A_381 = arith.cmpi eq, %and3A_378, %eq3A_380 : vector<1024x128xi32>
    %eq3A_382 = arith.xori %eq3A_381, %eq3A_375 : vector<1024x128xi1>
    %eq3A_383 = arith.constant dense<true> : vector<1024x128xi1>
    %eq3A_384 = arith.xori %eq3A_382, %eq3A_383 : vector<1024x128xi1>
    %roll3A_385 = arith.constant 120 : i32
    %roll3A_386 = tpu.dynamic_rotate %select_n3A_369 by %roll3A_385 dim 1 : vector<1024x128xi32>, i32 -> vector<1024x128xi32>
    %roll3A_387 = arith.constant 8 : i32
    %roll3A_388 = tpu.dynamic_rotate %select_n3A_369 by %roll3A_387 dim 1 : vector<1024x128xi32>, i32 -> vector<1024x128xi32>
    %select_n3A_389 = arith.select %eq3A_381, %roll3A_386, %roll3A_388 : vector<1024x128xi1>, vector<1024x128xi32>
    %max3A_390 = arith.maxsi %select_n3A_369, %select_n3A_389 : vector<1024x128xi32>
    %min3A_391 = arith.minsi %select_n3A_369, %select_n3A_389 : vector<1024x128xi32>
    %select_n3A_392 = arith.select %eq3A_384, %max3A_390, %min3A_391 : vector<1024x128xi1>, vector<1024x128xi32>
    %and3A_393 = arith.constant 4 : i32
    %and3A_394 = vector.broadcast %and3A_393 : i32 to vector<1024x128xi32>
    %and3A_395 = arith.andi %add3A, %and3A_394 : vector<1024x128xi32>
    %eq3A_396 = arith.constant 0 : i32
    %eq3A_397 = vector.broadcast %eq3A_396 : i32 to vector<1024x128xi32>
    %eq3A_398 = arith.cmpi eq, %and3A_395, %eq3A_397 : vector<1024x128xi32>
    %eq3A_399 = arith.xori %eq3A_398, %eq3A_375 : vector<1024x128xi1>
    %eq3A_400 = arith.constant dense<true> : vector<1024x128xi1>
    %eq3A_401 = arith.xori %eq3A_399, %eq3A_400 : vector<1024x128xi1>
    %roll3A_402 = arith.constant 124 : i32
    %roll3A_403 = tpu.dynamic_rotate %select_n3A_392 by %roll3A_402 dim 1 : vector<1024x128xi32>, i32 -> vector<1024x128xi32>
    %roll3A_404 = arith.constant 4 : i32
    %roll3A_405 = tpu.dynamic_rotate %select_n3A_392 by %roll3A_404 dim 1 : vector<1024x128xi32>, i32 -> vector<1024x128xi32>
    %select_n3A_406 = arith.select %eq3A_398, %roll3A_403, %roll3A_405 : vector<1024x128xi1>, vector<1024x128xi32>
    %max3A_407 = arith.maxsi %select_n3A_392, %select_n3A_406 : vector<1024x128xi32>
    %min3A_408 = arith.minsi %select_n3A_392, %select_n3A_406 : vector<1024x128xi32>
    %select_n3A_409 = arith.select %eq3A_401, %max3A_407, %min3A_408 : vector<1024x128xi1>, vector<1024x128xi32>
    %and3A_410 = arith.constant 2 : i32
    %and3A_411 = vector.broadcast %and3A_410 : i32 to vector<1024x128xi32>
    %and3A_412 = arith.andi %add3A, %and3A_411 : vector<1024x128xi32>
    %eq3A_413 = arith.constant 0 : i32
    %eq3A_414 = vector.broadcast %eq3A_413 : i32 to vector<1024x128xi32>
    %eq3A_415 = arith.cmpi eq, %and3A_412, %eq3A_414 : vector<1024x128xi32>
    %eq3A_416 = arith.xori %eq3A_415, %eq3A_375 : vector<1024x128xi1>
    %eq3A_417 = arith.constant dense<true> : vector<1024x128xi1>
    %eq3A_418 = arith.xori %eq3A_416, %eq3A_417 : vector<1024x128xi1>
    %roll3A_419 = arith.constant 126 : i32
    %roll3A_420 = tpu.dynamic_rotate %select_n3A_409 by %roll3A_419 dim 1 : vector<1024x128xi32>, i32 -> vector<1024x128xi32>
    %roll3A_421 = arith.constant 2 : i32
    %roll3A_422 = tpu.dynamic_rotate %select_n3A_409 by %roll3A_421 dim 1 : vector<1024x128xi32>, i32 -> vector<1024x128xi32>
    %select_n3A_423 = arith.select %eq3A_415, %roll3A_420, %roll3A_422 : vector<1024x128xi1>, vector<1024x128xi32>
    %max3A_424 = arith.maxsi %select_n3A_409, %select_n3A_423 : vector<1024x128xi32>
    %min3A_425 = arith.minsi %select_n3A_409, %select_n3A_423 : vector<1024x128xi32>
    %select_n3A_426 = arith.select %eq3A_418, %max3A_424, %min3A_425 : vector<1024x128xi1>, vector<1024x128xi32>
    %and3A_427 = arith.constant 1 : i32
    %and3A_428 = vector.broadcast %and3A_427 : i32 to vector<1024x128xi32>
    %and3A_429 = arith.andi %add3A, %and3A_428 : vector<1024x128xi32>
    %eq3A_430 = arith.constant 0 : i32
    %eq3A_431 = vector.broadcast %eq3A_430 : i32 to vector<1024x128xi32>
    %eq3A_432 = arith.cmpi eq, %and3A_429, %eq3A_431 : vector<1024x128xi32>
    %eq3A_433 = arith.xori %eq3A_432, %eq3A_375 : vector<1024x128xi1>
    %eq3A_434 = arith.constant dense<true> : vector<1024x128xi1>
    %eq3A_435 = arith.xori %eq3A_433, %eq3A_434 : vector<1024x128xi1>
    %roll3A_436 = arith.constant 127 : i32
    %roll3A_437 = tpu.dynamic_rotate %select_n3A_426 by %roll3A_436 dim 1 : vector<1024x128xi32>, i32 -> vector<1024x128xi32>
    %roll3A_438 = arith.constant 1 : i32
    %roll3A_439 = tpu.dynamic_rotate %select_n3A_426 by %roll3A_438 dim 1 : vector<1024x128xi32>, i32 -> vector<1024x128xi32>
    %select_n3A_440 = arith.select %eq3A_432, %roll3A_437, %roll3A_439 : vector<1024x128xi1>, vector<1024x128xi32>
    %max3A_441 = arith.maxsi %select_n3A_426, %select_n3A_440 : vector<1024x128xi32>
    %min3A_442 = arith.minsi %select_n3A_426, %select_n3A_440 : vector<1024x128xi32>
    %select_n3A_443 = arith.select %eq3A_435, %max3A_441, %min3A_442 : vector<1024x128xi1>, vector<1024x128xi32>
    %and3A_444 = arith.constant 32 : i32
    %and3A_445 = vector.broadcast %and3A_444 : i32 to vector<1024x128xi32>
    %and3A_446 = arith.andi %add3A, %and3A_445 : vector<1024x128xi32>
    %eq3A_447 = arith.constant 0 : i32
    %eq3A_448 = vector.broadcast %eq3A_447 : i32 to vector<1024x128xi32>
    %eq3A_449 = arith.cmpi eq, %and3A_446, %eq3A_448 : vector<1024x128xi32>
    %and3A_450 = arith.constant 16 : i32
    %and3A_451 = vector.broadcast %and3A_450 : i32 to vector<1024x128xi32>
    %and3A_452 = arith.andi %add3A, %and3A_451 : vector<1024x128xi32>
    %eq3A_453 = arith.constant 0 : i32
    %eq3A_454 = vector.broadcast %eq3A_453 : i32 to vector<1024x128xi32>
    %eq3A_455 = arith.cmpi eq, %and3A_452, %eq3A_454 : vector<1024x128xi32>
    %eq3A_456 = arith.xori %eq3A_455, %eq3A_449 : vector<1024x128xi1>
    %eq3A_457 = arith.constant dense<true> : vector<1024x128xi1>
    %eq3A_458 = arith.xori %eq3A_456, %eq3A_457 : vector<1024x128xi1>
    %roll3A_459 = arith.constant 112 : i32
    %roll3A_460 = tpu.dynamic_rotate %select_n3A_443 by %roll3A_459 dim 1 : vector<1024x128xi32>, i32 -> vector<1024x128xi32>
    %roll3A_461 = arith.constant 16 : i32
    %roll3A_462 = tpu.dynamic_rotate %select_n3A_443 by %roll3A_461 dim 1 : vector<1024x128xi32>, i32 -> vector<1024x128xi32>
    %select_n3A_463 = arith.select %eq3A_455, %roll3A_460, %roll3A_462 : vector<1024x128xi1>, vector<1024x128xi32>
    %max3A_464 = arith.maxsi %select_n3A_443, %select_n3A_463 : vector<1024x128xi32>
    %min3A_465 = arith.minsi %select_n3A_443, %select_n3A_463 : vector<1024x128xi32>
    %select_n3A_466 = arith.select %eq3A_458, %max3A_464, %min3A_465 : vector<1024x128xi1>, vector<1024x128xi32>
    %and3A_467 = arith.constant 8 : i32
    %and3A_468 = vector.broadcast %and3A_467 : i32 to vector<1024x128xi32>
    %and3A_469 = arith.andi %add3A, %and3A_468 : vector<1024x128xi32>
    %eq3A_470 = arith.constant 0 : i32
    %eq3A_471 = vector.broadcast %eq3A_470 : i32 to vector<1024x128xi32>
    %eq3A_472 = arith.cmpi eq, %and3A_469, %eq3A_471 : vector<1024x128xi32>
    %eq3A_473 = arith.xori %eq3A_472, %eq3A_449 : vector<1024x128xi1>
    %eq3A_474 = arith.constant dense<true> : vector<1024x128xi1>
    %eq3A_475 = arith.xori %eq3A_473, %eq3A_474 : vector<1024x128xi1>
    %roll3A_476 = arith.constant 120 : i32
    %roll3A_477 = tpu.dynamic_rotate %select_n3A_466 by %roll3A_476 dim 1 : vector<1024x128xi32>, i32 -> vector<1024x128xi32>
    %roll3A_478 = arith.constant 8 : i32
    %roll3A_479 = tpu.dynamic_rotate %select_n3A_466 by %roll3A_478 dim 1 : vector<1024x128xi32>, i32 -> vector<1024x128xi32>
    %select_n3A_480 = arith.select %eq3A_472, %roll3A_477, %roll3A_479 : vector<1024x128xi1>, vector<1024x128xi32>
    %max3A_481 = arith.maxsi %select_n3A_466, %select_n3A_480 : vector<1024x128xi32>
    %min3A_482 = arith.minsi %select_n3A_466, %select_n3A_480 : vector<1024x128xi32>
    %select_n3A_483 = arith.select %eq3A_475, %max3A_481, %min3A_482 : vector<1024x128xi1>, vector<1024x128xi32>
    %and3A_484 = arith.constant 4 : i32
    %and3A_485 = vector.broadcast %and3A_484 : i32 to vector<1024x128xi32>
    %and3A_486 = arith.andi %add3A, %and3A_485 : vector<1024x128xi32>
    %eq3A_487 = arith.constant 0 : i32
    %eq3A_488 = vector.broadcast %eq3A_487 : i32 to vector<1024x128xi32>
    %eq3A_489 = arith.cmpi eq, %and3A_486, %eq3A_488 : vector<1024x128xi32>
    %eq3A_490 = arith.xori %eq3A_489, %eq3A_449 : vector<1024x128xi1>
    %eq3A_491 = arith.constant dense<true> : vector<1024x128xi1>
    %eq3A_492 = arith.xori %eq3A_490, %eq3A_491 : vector<1024x128xi1>
    %roll3A_493 = arith.constant 124 : i32
    %roll3A_494 = tpu.dynamic_rotate %select_n3A_483 by %roll3A_493 dim 1 : vector<1024x128xi32>, i32 -> vector<1024x128xi32>
    %roll3A_495 = arith.constant 4 : i32
    %roll3A_496 = tpu.dynamic_rotate %select_n3A_483 by %roll3A_495 dim 1 : vector<1024x128xi32>, i32 -> vector<1024x128xi32>
    %select_n3A_497 = arith.select %eq3A_489, %roll3A_494, %roll3A_496 : vector<1024x128xi1>, vector<1024x128xi32>
    %max3A_498 = arith.maxsi %select_n3A_483, %select_n3A_497 : vector<1024x128xi32>
    %min3A_499 = arith.minsi %select_n3A_483, %select_n3A_497 : vector<1024x128xi32>
    %select_n3A_500 = arith.select %eq3A_492, %max3A_498, %min3A_499 : vector<1024x128xi1>, vector<1024x128xi32>
    %and3A_501 = arith.constant 2 : i32
    %and3A_502 = vector.broadcast %and3A_501 : i32 to vector<1024x128xi32>
    %and3A_503 = arith.andi %add3A, %and3A_502 : vector<1024x128xi32>
    %eq3A_504 = arith.constant 0 : i32
    %eq3A_505 = vector.broadcast %eq3A_504 : i32 to vector<1024x128xi32>
    %eq3A_506 = arith.cmpi eq, %and3A_503, %eq3A_505 : vector<1024x128xi32>
    %eq3A_507 = arith.xori %eq3A_506, %eq3A_449 : vector<1024x128xi1>
    %eq3A_508 = arith.constant dense<true> : vector<1024x128xi1>
    %eq3A_509 = arith.xori %eq3A_507, %eq3A_508 : vector<1024x128xi1>
    %roll3A_510 = arith.constant 126 : i32
    %roll3A_511 = tpu.dynamic_rotate %select_n3A_500 by %roll3A_510 dim 1 : vector<1024x128xi32>, i32 -> vector<1024x128xi32>
    %roll3A_512 = arith.constant 2 : i32
    %roll3A_513 = tpu.dynamic_rotate %select_n3A_500 by %roll3A_512 dim 1 : vector<1024x128xi32>, i32 -> vector<1024x128xi32>
    %select_n3A_514 = arith.select %eq3A_506, %roll3A_511, %roll3A_513 : vector<1024x128xi1>, vector<1024x128xi32>
    %max3A_515 = arith.maxsi %select_n3A_500, %select_n3A_514 : vector<1024x128xi32>
    %min3A_516 = arith.minsi %select_n3A_500, %select_n3A_514 : vector<1024x128xi32>
    %select_n3A_517 = arith.select %eq3A_509, %max3A_515, %min3A_516 : vector<1024x128xi1>, vector<1024x128xi32>
    %and3A_518 = arith.constant 1 : i32
    %and3A_519 = vector.broadcast %and3A_518 : i32 to vector<1024x128xi32>
    %and3A_520 = arith.andi %add3A, %and3A_519 : vector<1024x128xi32>
    %eq3A_521 = arith.constant 0 : i32
    %eq3A_522 = vector.broadcast %eq3A_521 : i32 to vector<1024x128xi32>
    %eq3A_523 = arith.cmpi eq, %and3A_520, %eq3A_522 : vector<1024x128xi32>
    %eq3A_524 = arith.xori %eq3A_523, %eq3A_449 : vector<1024x128xi1>
    %eq3A_525 = arith.constant dense<true> : vector<1024x128xi1>
    %eq3A_526 = arith.xori %eq3A_524, %eq3A_525 : vector<1024x128xi1>
    %roll3A_527 = arith.constant 127 : i32
    %roll3A_528 = tpu.dynamic_rotate %select_n3A_517 by %roll3A_527 dim 1 : vector<1024x128xi32>, i32 -> vector<1024x128xi32>
    %roll3A_529 = arith.constant 1 : i32
    %roll3A_530 = tpu.dynamic_rotate %select_n3A_517 by %roll3A_529 dim 1 : vector<1024x128xi32>, i32 -> vector<1024x128xi32>
    %select_n3A_531 = arith.select %eq3A_523, %roll3A_528, %roll3A_530 : vector<1024x128xi1>, vector<1024x128xi32>
    %max3A_532 = arith.maxsi %select_n3A_517, %select_n3A_531 : vector<1024x128xi32>
    %min3A_533 = arith.minsi %select_n3A_517, %select_n3A_531 : vector<1024x128xi32>
    %select_n3A_534 = arith.select %eq3A_526, %max3A_532, %min3A_533 : vector<1024x128xi1>, vector<1024x128xi32>
    %and3A_535 = arith.constant 64 : i32
    %and3A_536 = vector.broadcast %and3A_535 : i32 to vector<1024x128xi32>
    %and3A_537 = arith.andi %add3A, %and3A_536 : vector<1024x128xi32>
    %eq3A_538 = arith.constant 0 : i32
    %eq3A_539 = vector.broadcast %eq3A_538 : i32 to vector<1024x128xi32>
    %eq3A_540 = arith.cmpi eq, %and3A_537, %eq3A_539 : vector<1024x128xi32>
    %and3A_541 = arith.constant 32 : i32
    %and3A_542 = vector.broadcast %and3A_541 : i32 to vector<1024x128xi32>
    %and3A_543 = arith.andi %add3A, %and3A_542 : vector<1024x128xi32>
    %eq3A_544 = arith.constant 0 : i32
    %eq3A_545 = vector.broadcast %eq3A_544 : i32 to vector<1024x128xi32>
    %eq3A_546 = arith.cmpi eq, %and3A_543, %eq3A_545 : vector<1024x128xi32>
    %eq3A_547 = arith.xori %eq3A_546, %eq3A_540 : vector<1024x128xi1>
    %eq3A_548 = arith.constant dense<true> : vector<1024x128xi1>
    %eq3A_549 = arith.xori %eq3A_547, %eq3A_548 : vector<1024x128xi1>
    %roll3A_550 = arith.constant 96 : i32
    %roll3A_551 = tpu.dynamic_rotate %select_n3A_534 by %roll3A_550 dim 1 : vector<1024x128xi32>, i32 -> vector<1024x128xi32>
    %roll3A_552 = arith.constant 32 : i32
    %roll3A_553 = tpu.dynamic_rotate %select_n3A_534 by %roll3A_552 dim 1 : vector<1024x128xi32>, i32 -> vector<1024x128xi32>
    %select_n3A_554 = arith.select %eq3A_546, %roll3A_551, %roll3A_553 : vector<1024x128xi1>, vector<1024x128xi32>
    %max3A_555 = arith.maxsi %select_n3A_534, %select_n3A_554 : vector<1024x128xi32>
    %min3A_556 = arith.minsi %select_n3A_534, %select_n3A_554 : vector<1024x128xi32>
    %select_n3A_557 = arith.select %eq3A_549, %max3A_555, %min3A_556 : vector<1024x128xi1>, vector<1024x128xi32>
    %and3A_558 = arith.constant 16 : i32
    %and3A_559 = vector.broadcast %and3A_558 : i32 to vector<1024x128xi32>
    %and3A_560 = arith.andi %add3A, %and3A_559 : vector<1024x128xi32>
    %eq3A_561 = arith.constant 0 : i32
    %eq3A_562 = vector.broadcast %eq3A_561 : i32 to vector<1024x128xi32>
    %eq3A_563 = arith.cmpi eq, %and3A_560, %eq3A_562 : vector<1024x128xi32>
    %eq3A_564 = arith.xori %eq3A_563, %eq3A_540 : vector<1024x128xi1>
    %eq3A_565 = arith.constant dense<true> : vector<1024x128xi1>
    %eq3A_566 = arith.xori %eq3A_564, %eq3A_565 : vector<1024x128xi1>
    %roll3A_567 = arith.constant 112 : i32
    %roll3A_568 = tpu.dynamic_rotate %select_n3A_557 by %roll3A_567 dim 1 : vector<1024x128xi32>, i32 -> vector<1024x128xi32>
    %roll3A_569 = arith.constant 16 : i32
    %roll3A_570 = tpu.dynamic_rotate %select_n3A_557 by %roll3A_569 dim 1 : vector<1024x128xi32>, i32 -> vector<1024x128xi32>
    %select_n3A_571 = arith.select %eq3A_563, %roll3A_568, %roll3A_570 : vector<1024x128xi1>, vector<1024x128xi32>
    %max3A_572 = arith.maxsi %select_n3A_557, %select_n3A_571 : vector<1024x128xi32>
    %min3A_573 = arith.minsi %select_n3A_557, %select_n3A_571 : vector<1024x128xi32>
    %select_n3A_574 = arith.select %eq3A_566, %max3A_572, %min3A_573 : vector<1024x128xi1>, vector<1024x128xi32>
    %and3A_575 = arith.constant 8 : i32
    %and3A_576 = vector.broadcast %and3A_575 : i32 to vector<1024x128xi32>
    %and3A_577 = arith.andi %add3A, %and3A_576 : vector<1024x128xi32>
    %eq3A_578 = arith.constant 0 : i32
    %eq3A_579 = vector.broadcast %eq3A_578 : i32 to vector<1024x128xi32>
    %eq3A_580 = arith.cmpi eq, %and3A_577, %eq3A_579 : vector<1024x128xi32>
    %eq3A_581 = arith.xori %eq3A_580, %eq3A_540 : vector<1024x128xi1>
    %eq3A_582 = arith.constant dense<true> : vector<1024x128xi1>
    %eq3A_583 = arith.xori %eq3A_581, %eq3A_582 : vector<1024x128xi1>
    %roll3A_584 = arith.constant 120 : i32
    %roll3A_585 = tpu.dynamic_rotate %select_n3A_574 by %roll3A_584 dim 1 : vector<1024x128xi32>, i32 -> vector<1024x128xi32>
    %roll3A_586 = arith.constant 8 : i32
    %roll3A_587 = tpu.dynamic_rotate %select_n3A_574 by %roll3A_586 dim 1 : vector<1024x128xi32>, i32 -> vector<1024x128xi32>
    %select_n3A_588 = arith.select %eq3A_580, %roll3A_585, %roll3A_587 : vector<1024x128xi1>, vector<1024x128xi32>
    %max3A_589 = arith.maxsi %select_n3A_574, %select_n3A_588 : vector<1024x128xi32>
    %min3A_590 = arith.minsi %select_n3A_574, %select_n3A_588 : vector<1024x128xi32>
    %select_n3A_591 = arith.select %eq3A_583, %max3A_589, %min3A_590 : vector<1024x128xi1>, vector<1024x128xi32>
    %and3A_592 = arith.constant 4 : i32
    %and3A_593 = vector.broadcast %and3A_592 : i32 to vector<1024x128xi32>
    %and3A_594 = arith.andi %add3A, %and3A_593 : vector<1024x128xi32>
    %eq3A_595 = arith.constant 0 : i32
    %eq3A_596 = vector.broadcast %eq3A_595 : i32 to vector<1024x128xi32>
    %eq3A_597 = arith.cmpi eq, %and3A_594, %eq3A_596 : vector<1024x128xi32>
    %eq3A_598 = arith.xori %eq3A_597, %eq3A_540 : vector<1024x128xi1>
    %eq3A_599 = arith.constant dense<true> : vector<1024x128xi1>
    %eq3A_600 = arith.xori %eq3A_598, %eq3A_599 : vector<1024x128xi1>
    %roll3A_601 = arith.constant 124 : i32
    %roll3A_602 = tpu.dynamic_rotate %select_n3A_591 by %roll3A_601 dim 1 : vector<1024x128xi32>, i32 -> vector<1024x128xi32>
    %roll3A_603 = arith.constant 4 : i32
    %roll3A_604 = tpu.dynamic_rotate %select_n3A_591 by %roll3A_603 dim 1 : vector<1024x128xi32>, i32 -> vector<1024x128xi32>
    %select_n3A_605 = arith.select %eq3A_597, %roll3A_602, %roll3A_604 : vector<1024x128xi1>, vector<1024x128xi32>
    %max3A_606 = arith.maxsi %select_n3A_591, %select_n3A_605 : vector<1024x128xi32>
    %min3A_607 = arith.minsi %select_n3A_591, %select_n3A_605 : vector<1024x128xi32>
    %select_n3A_608 = arith.select %eq3A_600, %max3A_606, %min3A_607 : vector<1024x128xi1>, vector<1024x128xi32>
    %and3A_609 = arith.constant 2 : i32
    %and3A_610 = vector.broadcast %and3A_609 : i32 to vector<1024x128xi32>
    %and3A_611 = arith.andi %add3A, %and3A_610 : vector<1024x128xi32>
    %eq3A_612 = arith.constant 0 : i32
    %eq3A_613 = vector.broadcast %eq3A_612 : i32 to vector<1024x128xi32>
    %eq3A_614 = arith.cmpi eq, %and3A_611, %eq3A_613 : vector<1024x128xi32>
    %eq3A_615 = arith.xori %eq3A_614, %eq3A_540 : vector<1024x128xi1>
    %eq3A_616 = arith.constant dense<true> : vector<1024x128xi1>
    %eq3A_617 = arith.xori %eq3A_615, %eq3A_616 : vector<1024x128xi1>
    %roll3A_618 = arith.constant 126 : i32
    %roll3A_619 = tpu.dynamic_rotate %select_n3A_608 by %roll3A_618 dim 1 : vector<1024x128xi32>, i32 -> vector<1024x128xi32>
    %roll3A_620 = arith.constant 2 : i32
    %roll3A_621 = tpu.dynamic_rotate %select_n3A_608 by %roll3A_620 dim 1 : vector<1024x128xi32>, i32 -> vector<1024x128xi32>
    %select_n3A_622 = arith.select %eq3A_614, %roll3A_619, %roll3A_621 : vector<1024x128xi1>, vector<1024x128xi32>
    %max3A_623 = arith.maxsi %select_n3A_608, %select_n3A_622 : vector<1024x128xi32>
    %min3A_624 = arith.minsi %select_n3A_608, %select_n3A_622 : vector<1024x128xi32>
    %select_n3A_625 = arith.select %eq3A_617, %max3A_623, %min3A_624 : vector<1024x128xi1>, vector<1024x128xi32>
    %and3A_626 = arith.constant 1 : i32
    %and3A_627 = vector.broadcast %and3A_626 : i32 to vector<1024x128xi32>
    %and3A_628 = arith.andi %add3A, %and3A_627 : vector<1024x128xi32>
    %eq3A_629 = arith.constant 0 : i32
    %eq3A_630 = vector.broadcast %eq3A_629 : i32 to vector<1024x128xi32>
    %eq3A_631 = arith.cmpi eq, %and3A_628, %eq3A_630 : vector<1024x128xi32>
    %eq3A_632 = arith.xori %eq3A_631, %eq3A_540 : vector<1024x128xi1>
    %eq3A_633 = arith.constant dense<true> : vector<1024x128xi1>
    %eq3A_634 = arith.xori %eq3A_632, %eq3A_633 : vector<1024x128xi1>
    %roll3A_635 = arith.constant 127 : i32
    %roll3A_636 = tpu.dynamic_rotate %select_n3A_625 by %roll3A_635 dim 1 : vector<1024x128xi32>, i32 -> vector<1024x128xi32>
    %roll3A_637 = arith.constant 1 : i32
    %roll3A_638 = tpu.dynamic_rotate %select_n3A_625 by %roll3A_637 dim 1 : vector<1024x128xi32>, i32 -> vector<1024x128xi32>
    %select_n3A_639 = arith.select %eq3A_631, %roll3A_636, %roll3A_638 : vector<1024x128xi1>, vector<1024x128xi32>
    %max3A_640 = arith.maxsi %select_n3A_625, %select_n3A_639 : vector<1024x128xi32>
    %min3A_641 = arith.minsi %select_n3A_625, %select_n3A_639 : vector<1024x128xi32>
    %select_n3A_642 = arith.select %eq3A_634, %max3A_640, %min3A_641 : vector<1024x128xi1>, vector<1024x128xi32>
    %and3A_643 = arith.constant 128 : i32
    %and3A_644 = vector.broadcast %and3A_643 : i32 to vector<1024x128xi32>
    %and3A_645 = arith.andi %add3A, %and3A_644 : vector<1024x128xi32>
    %eq3A_646 = arith.constant 0 : i32
    %eq3A_647 = vector.broadcast %eq3A_646 : i32 to vector<1024x128xi32>
    %eq3A_648 = arith.cmpi eq, %and3A_645, %eq3A_647 : vector<1024x128xi32>
    %and3A_649 = arith.constant 64 : i32
    %and3A_650 = vector.broadcast %and3A_649 : i32 to vector<1024x128xi32>
    %and3A_651 = arith.andi %add3A, %and3A_650 : vector<1024x128xi32>
    %eq3A_652 = arith.constant 0 : i32
    %eq3A_653 = vector.broadcast %eq3A_652 : i32 to vector<1024x128xi32>
    %eq3A_654 = arith.cmpi eq, %and3A_651, %eq3A_653 : vector<1024x128xi32>
    %eq3A_655 = arith.xori %eq3A_654, %eq3A_648 : vector<1024x128xi1>
    %eq3A_656 = arith.constant dense<true> : vector<1024x128xi1>
    %eq3A_657 = arith.xori %eq3A_655, %eq3A_656 : vector<1024x128xi1>
    %roll3A_658 = arith.constant 64 : i32
    %roll3A_659 = tpu.dynamic_rotate %select_n3A_642 by %roll3A_658 dim 1 : vector<1024x128xi32>, i32 -> vector<1024x128xi32>
    %roll3A_660 = arith.constant 64 : i32
    %roll3A_661 = tpu.dynamic_rotate %select_n3A_642 by %roll3A_660 dim 1 : vector<1024x128xi32>, i32 -> vector<1024x128xi32>
    %select_n3A_662 = arith.select %eq3A_654, %roll3A_659, %roll3A_661 : vector<1024x128xi1>, vector<1024x128xi32>
    %max3A_663 = arith.maxsi %select_n3A_642, %select_n3A_662 : vector<1024x128xi32>
    %min3A_664 = arith.minsi %select_n3A_642, %select_n3A_662 : vector<1024x128xi32>
    %select_n3A_665 = arith.select %eq3A_657, %max3A_663, %min3A_664 : vector<1024x128xi1>, vector<1024x128xi32>
    %and3A_666 = arith.constant 32 : i32
    %and3A_667 = vector.broadcast %and3A_666 : i32 to vector<1024x128xi32>
    %and3A_668 = arith.andi %add3A, %and3A_667 : vector<1024x128xi32>
    %eq3A_669 = arith.constant 0 : i32
    %eq3A_670 = vector.broadcast %eq3A_669 : i32 to vector<1024x128xi32>
    %eq3A_671 = arith.cmpi eq, %and3A_668, %eq3A_670 : vector<1024x128xi32>
    %eq3A_672 = arith.xori %eq3A_671, %eq3A_648 : vector<1024x128xi1>
    %eq3A_673 = arith.constant dense<true> : vector<1024x128xi1>
    %eq3A_674 = arith.xori %eq3A_672, %eq3A_673 : vector<1024x128xi1>
    %roll3A_675 = arith.constant 96 : i32
    %roll3A_676 = tpu.dynamic_rotate %select_n3A_665 by %roll3A_675 dim 1 : vector<1024x128xi32>, i32 -> vector<1024x128xi32>
    %roll3A_677 = arith.constant 32 : i32
    %roll3A_678 = tpu.dynamic_rotate %select_n3A_665 by %roll3A_677 dim 1 : vector<1024x128xi32>, i32 -> vector<1024x128xi32>
    %select_n3A_679 = arith.select %eq3A_671, %roll3A_676, %roll3A_678 : vector<1024x128xi1>, vector<1024x128xi32>
    %max3A_680 = arith.maxsi %select_n3A_665, %select_n3A_679 : vector<1024x128xi32>
    %min3A_681 = arith.minsi %select_n3A_665, %select_n3A_679 : vector<1024x128xi32>
    %select_n3A_682 = arith.select %eq3A_674, %max3A_680, %min3A_681 : vector<1024x128xi1>, vector<1024x128xi32>
    %and3A_683 = arith.constant 16 : i32
    %and3A_684 = vector.broadcast %and3A_683 : i32 to vector<1024x128xi32>
    %and3A_685 = arith.andi %add3A, %and3A_684 : vector<1024x128xi32>
    %eq3A_686 = arith.constant 0 : i32
    %eq3A_687 = vector.broadcast %eq3A_686 : i32 to vector<1024x128xi32>
    %eq3A_688 = arith.cmpi eq, %and3A_685, %eq3A_687 : vector<1024x128xi32>
    %eq3A_689 = arith.xori %eq3A_688, %eq3A_648 : vector<1024x128xi1>
    %eq3A_690 = arith.constant dense<true> : vector<1024x128xi1>
    %eq3A_691 = arith.xori %eq3A_689, %eq3A_690 : vector<1024x128xi1>
    %roll3A_692 = arith.constant 112 : i32
    %roll3A_693 = tpu.dynamic_rotate %select_n3A_682 by %roll3A_692 dim 1 : vector<1024x128xi32>, i32 -> vector<1024x128xi32>
    %roll3A_694 = arith.constant 16 : i32
    %roll3A_695 = tpu.dynamic_rotate %select_n3A_682 by %roll3A_694 dim 1 : vector<1024x128xi32>, i32 -> vector<1024x128xi32>
    %select_n3A_696 = arith.select %eq3A_688, %roll3A_693, %roll3A_695 : vector<1024x128xi1>, vector<1024x128xi32>
    %max3A_697 = arith.maxsi %select_n3A_682, %select_n3A_696 : vector<1024x128xi32>
    %min3A_698 = arith.minsi %select_n3A_682, %select_n3A_696 : vector<1024x128xi32>
    %select_n3A_699 = arith.select %eq3A_691, %max3A_697, %min3A_698 : vector<1024x128xi1>, vector<1024x128xi32>
    %and3A_700 = arith.constant 8 : i32
    %and3A_701 = vector.broadcast %and3A_700 : i32 to vector<1024x128xi32>
    %and3A_702 = arith.andi %add3A, %and3A_701 : vector<1024x128xi32>
    %eq3A_703 = arith.constant 0 : i32
    %eq3A_704 = vector.broadcast %eq3A_703 : i32 to vector<1024x128xi32>
    %eq3A_705 = arith.cmpi eq, %and3A_702, %eq3A_704 : vector<1024x128xi32>
    %eq3A_706 = arith.xori %eq3A_705, %eq3A_648 : vector<1024x128xi1>
    %eq3A_707 = arith.constant dense<true> : vector<1024x128xi1>
    %eq3A_708 = arith.xori %eq3A_706, %eq3A_707 : vector<1024x128xi1>
    %roll3A_709 = arith.constant 120 : i32
    %roll3A_710 = tpu.dynamic_rotate %select_n3A_699 by %roll3A_709 dim 1 : vector<1024x128xi32>, i32 -> vector<1024x128xi32>
    %roll3A_711 = arith.constant 8 : i32
    %roll3A_712 = tpu.dynamic_rotate %select_n3A_699 by %roll3A_711 dim 1 : vector<1024x128xi32>, i32 -> vector<1024x128xi32>
    %select_n3A_713 = arith.select %eq3A_705, %roll3A_710, %roll3A_712 : vector<1024x128xi1>, vector<1024x128xi32>
    %max3A_714 = arith.maxsi %select_n3A_699, %select_n3A_713 : vector<1024x128xi32>
    %min3A_715 = arith.minsi %select_n3A_699, %select_n3A_713 : vector<1024x128xi32>
    %select_n3A_716 = arith.select %eq3A_708, %max3A_714, %min3A_715 : vector<1024x128xi1>, vector<1024x128xi32>
    %and3A_717 = arith.constant 4 : i32
    %and3A_718 = vector.broadcast %and3A_717 : i32 to vector<1024x128xi32>
    %and3A_719 = arith.andi %add3A, %and3A_718 : vector<1024x128xi32>
    %eq3A_720 = arith.constant 0 : i32
    %eq3A_721 = vector.broadcast %eq3A_720 : i32 to vector<1024x128xi32>
    %eq3A_722 = arith.cmpi eq, %and3A_719, %eq3A_721 : vector<1024x128xi32>
    %eq3A_723 = arith.xori %eq3A_722, %eq3A_648 : vector<1024x128xi1>
    %eq3A_724 = arith.constant dense<true> : vector<1024x128xi1>
    %eq3A_725 = arith.xori %eq3A_723, %eq3A_724 : vector<1024x128xi1>
    %roll3A_726 = arith.constant 124 : i32
    %roll3A_727 = tpu.dynamic_rotate %select_n3A_716 by %roll3A_726 dim 1 : vector<1024x128xi32>, i32 -> vector<1024x128xi32>
    %roll3A_728 = arith.constant 4 : i32
    %roll3A_729 = tpu.dynamic_rotate %select_n3A_716 by %roll3A_728 dim 1 : vector<1024x128xi32>, i32 -> vector<1024x128xi32>
    %select_n3A_730 = arith.select %eq3A_722, %roll3A_727, %roll3A_729 : vector<1024x128xi1>, vector<1024x128xi32>
    %max3A_731 = arith.maxsi %select_n3A_716, %select_n3A_730 : vector<1024x128xi32>
    %min3A_732 = arith.minsi %select_n3A_716, %select_n3A_730 : vector<1024x128xi32>
    %select_n3A_733 = arith.select %eq3A_725, %max3A_731, %min3A_732 : vector<1024x128xi1>, vector<1024x128xi32>
    %and3A_734 = arith.constant 2 : i32
    %and3A_735 = vector.broadcast %and3A_734 : i32 to vector<1024x128xi32>
    %and3A_736 = arith.andi %add3A, %and3A_735 : vector<1024x128xi32>
    %eq3A_737 = arith.constant 0 : i32
    %eq3A_738 = vector.broadcast %eq3A_737 : i32 to vector<1024x128xi32>
    %eq3A_739 = arith.cmpi eq, %and3A_736, %eq3A_738 : vector<1024x128xi32>
    %eq3A_740 = arith.xori %eq3A_739, %eq3A_648 : vector<1024x128xi1>
    %eq3A_741 = arith.constant dense<true> : vector<1024x128xi1>
    %eq3A_742 = arith.xori %eq3A_740, %eq3A_741 : vector<1024x128xi1>
    %roll3A_743 = arith.constant 126 : i32
    %roll3A_744 = tpu.dynamic_rotate %select_n3A_733 by %roll3A_743 dim 1 : vector<1024x128xi32>, i32 -> vector<1024x128xi32>
    %roll3A_745 = arith.constant 2 : i32
    %roll3A_746 = tpu.dynamic_rotate %select_n3A_733 by %roll3A_745 dim 1 : vector<1024x128xi32>, i32 -> vector<1024x128xi32>
    %select_n3A_747 = arith.select %eq3A_739, %roll3A_744, %roll3A_746 : vector<1024x128xi1>, vector<1024x128xi32>
    %max3A_748 = arith.maxsi %select_n3A_733, %select_n3A_747 : vector<1024x128xi32>
    %min3A_749 = arith.minsi %select_n3A_733, %select_n3A_747 : vector<1024x128xi32>
    %select_n3A_750 = arith.select %eq3A_742, %max3A_748, %min3A_749 : vector<1024x128xi1>, vector<1024x128xi32>
    %and3A_751 = arith.constant 1 : i32
    %and3A_752 = vector.broadcast %and3A_751 : i32 to vector<1024x128xi32>
    %and3A_753 = arith.andi %add3A, %and3A_752 : vector<1024x128xi32>
    %eq3A_754 = arith.constant 0 : i32
    %eq3A_755 = vector.broadcast %eq3A_754 : i32 to vector<1024x128xi32>
    %eq3A_756 = arith.cmpi eq, %and3A_753, %eq3A_755 : vector<1024x128xi32>
    %eq3A_757 = arith.xori %eq3A_756, %eq3A_648 : vector<1024x128xi1>
    %eq3A_758 = arith.constant dense<true> : vector<1024x128xi1>
    %eq3A_759 = arith.xori %eq3A_757, %eq3A_758 : vector<1024x128xi1>
    %roll3A_760 = arith.constant 127 : i32
    %roll3A_761 = tpu.dynamic_rotate %select_n3A_750 by %roll3A_760 dim 1 : vector<1024x128xi32>, i32 -> vector<1024x128xi32>
    %roll3A_762 = arith.constant 1 : i32
    %roll3A_763 = tpu.dynamic_rotate %select_n3A_750 by %roll3A_762 dim 1 : vector<1024x128xi32>, i32 -> vector<1024x128xi32>
    %select_n3A_764 = arith.select %eq3A_756, %roll3A_761, %roll3A_763 : vector<1024x128xi1>, vector<1024x128xi32>
    %max3A_765 = arith.maxsi %select_n3A_750, %select_n3A_764 : vector<1024x128xi32>
    %min3A_766 = arith.minsi %select_n3A_750, %select_n3A_764 : vector<1024x128xi32>
    %select_n3A_767 = arith.select %eq3A_759, %max3A_765, %min3A_766 : vector<1024x128xi1>, vector<1024x128xi32>
    %swap3A = arith.constant 0 : index
    %swap3A_768 = arith.constant 0 : index
    %swap3A_769 = vector.load %arg4[%swap3A, %swap3A_768] : memref<1024x128xi32, #tpu.memory_space<vmem>>, vector<1024x128xi32>
    tpu.vector_store %arg4[%swap3A, %swap3A_768], %select_n3A_767 {strides = array<i32>} : memref<1024x128xi32, #tpu.memory_space<vmem>>, vector<1024x128xi32>,
    %scan3A = arith.constant 7 : i32
    %scan3A_770 = arith.constant 10 : i32
    %scan3A_771 = arith.addi %scan3A, %scan3A_770 : i32
    %scan3A_772 = arith.constant 1 : i32
    scf.for %scan3A_1432 = %scan3A to %scan3A_771 step %scan3A_772  : i32 {
      %add3A_1433 = arith.constant 1 : i32
      %add3A_1434 = arith.addi %scan3A_1432, %add3A_1433 : i32
      %shift_left3A_1435 = arith.constant 1 : i32
      %shift_left3A_1436 = arith.shli %shift_left3A_1435, %add3A_1434 : i32
      %and3A_1437 = vector.broadcast %shift_left3A_1436 : i32 to vector<1024x128xi32>
      %and3A_1438 = arith.andi %add3A, %and3A_1437 : vector<1024x128xi32>
      %eq3A_1439 = arith.constant 0 : i32
      %eq3A_1440 = vector.broadcast %eq3A_1439 : i32 to vector<1024x128xi32>
      %eq3A_1441 = arith.cmpi eq, %and3A_1438, %eq3A_1440 : vector<1024x128xi32>
      %sub3A_1442 = arith.constant 6 : i32
      %sub3A_1443 = arith.subi %scan3A_1432, %sub3A_1442 : i32
      %shift_right_logical3A_1444 = arith.constant 1 : i32
      %shift_right_logical3A_1445 = arith.shrui %sub3A_1443, %shift_right_logical3A_1444 : i32
      %while3A = arith.constant 0 : i32
      %while3A_1446 = arith.constant 0 : i32
      %while3A_1447 = arith.subi %shift_right_logical3A_1445, %while3A : i32
      %while3A_1448 = arith.addi %while3A, %while3A_1447 : i32
      %while3A_1449 = arith.constant 1 : i32
      %while3A_1450 = arith.divsi %while3A_1447, %while3A_1449 : i32
      %while3A_1451 = arith.muli %while3A_1450, %while3A_1449 : i32
      %while3A_1452 = arith.addi %while3A, %while3A_1451 : i32
      %while3A_1453 = arith.constant 1 : i32
      %while3A_1454 = scf.for %while3A_1595 = %while3A to %while3A_1452 step %while3A_1453 iter_args(%while3A_1596 = %while3A_1446) -> (i32)  : i32 {
        %mul3A_1597 = arith.constant 2 : i32
        %mul3A_1598 = arith.muli %mul3A_1597, %while3A_1595 : i32
        %sub3A_1599 = arith.subi %scan3A_1432, %mul3A_1598 : i32
        %shift_left3A_1600 = arith.constant 1 : i32
        %shift_left3A_1601 = arith.shli %shift_left3A_1600, %sub3A_1599 : i32
        %get3A_1602 = arith.constant 0 : index
        %get3A_1603 = arith.constant 0 : index
        %get3A_1604 = vector.load %arg4[%get3A_1602, %get3A_1603] : memref<1024x128xi32, #tpu.memory_space<vmem>>, vector<1024x128xi32>
        %shift_right_logical3A_1605 = arith.constant 7 : i32
        %shift_right_logical3A_1606 = arith.shrui %shift_left3A_1601, %shift_right_logical3A_1605 : i32
        %and3A_1607 = vector.broadcast %shift_left3A_1601 : i32 to vector<1024x128xi32>
        %and3A_1608 = arith.andi %add3A, %and3A_1607 : vector<1024x128xi32>
        %eq3A_1609 = arith.constant 0 : i32
        %eq3A_1610 = vector.broadcast %eq3A_1609 : i32 to vector<1024x128xi32>
        %eq3A_1611 = arith.cmpi eq, %and3A_1608, %eq3A_1610 : vector<1024x128xi32>
        %eq3A_1612 = arith.xori %eq3A_1611, %eq3A_1441 : vector<1024x128xi1>
        %eq3A_1613 = arith.constant dense<true> : vector<1024x128xi1>
        %eq3A_1614 = arith.xori %eq3A_1612, %eq3A_1613 : vector<1024x128xi1>
        %sub3A_1615 = arith.constant 1024 : i32
        %sub3A_1616 = arith.subi %sub3A_1615, %shift_right_logical3A_1606 : i32
        %roll3A_1617 = tpu.dynamic_rotate %get3A_1604 by %sub3A_1616 dim 0 : vector<1024x128xi32>, i32 -> vector<1024x128xi32>
        %roll3A_1618 = tpu.dynamic_rotate %get3A_1604 by %shift_right_logical3A_1606 dim 0 : vector<1024x128xi32>, i32 -> vector<1024x128xi32>
        %select_n3A_1619 = arith.select %eq3A_1611, %roll3A_1617, %roll3A_1618 : vector<1024x128xi1>, vector<1024x128xi32>
        %max3A_1620 = arith.maxsi %get3A_1604, %select_n3A_1619 : vector<1024x128xi32>
        %min3A_1621 = arith.minsi %get3A_1604, %select_n3A_1619 : vector<1024x128xi32>
        %select_n3A_1622 = arith.select %eq3A_1614, %max3A_1620, %min3A_1621 : vector<1024x128xi1>, vector<1024x128xi32>
        %shift_right_logical3A_1623 = arith.constant 1 : i32
        %shift_right_logical3A_1624 = arith.shrui %shift_left3A_1601, %shift_right_logical3A_1623 : i32
        %shift_right_logical3A_1625 = arith.constant 7 : i32
        %shift_right_logical3A_1626 = arith.shrui %shift_right_logical3A_1624, %shift_right_logical3A_1625 : i32
        %and3A_1627 = vector.broadcast %shift_right_logical3A_1624 : i32 to vector<1024x128xi32>
        %and3A_1628 = arith.andi %add3A, %and3A_1627 : vector<1024x128xi32>
        %eq3A_1629 = arith.constant 0 : i32
        %eq3A_1630 = vector.broadcast %eq3A_1629 : i32 to vector<1024x128xi32>
        %eq3A_1631 = arith.cmpi eq, %and3A_1628, %eq3A_1630 : vector<1024x128xi32>
        %eq3A_1632 = arith.xori %eq3A_1631, %eq3A_1441 : vector<1024x128xi1>
        %eq3A_1633 = arith.constant dense<true> : vector<1024x128xi1>
        %eq3A_1634 = arith.xori %eq3A_1632, %eq3A_1633 : vector<1024x128xi1>
        %sub3A_1635 = arith.constant 1024 : i32
        %sub3A_1636 = arith.subi %sub3A_1635, %shift_right_logical3A_1626 : i32
        %roll3A_1637 = tpu.dynamic_rotate %select_n3A_1622 by %sub3A_1636 dim 0 : vector<1024x128xi32>, i32 -> vector<1024x128xi32>
        %roll3A_1638 = tpu.dynamic_rotate %select_n3A_1622 by %shift_right_logical3A_1626 dim 0 : vector<1024x128xi32>, i32 -> vector<1024x128xi32>
        %select_n3A_1639 = arith.select %eq3A_1631, %roll3A_1637, %roll3A_1638 : vector<1024x128xi1>, vector<1024x128xi32>
        %max3A_1640 = arith.maxsi %select_n3A_1622, %select_n3A_1639 : vector<1024x128xi32>
        %min3A_1641 = arith.minsi %select_n3A_1622, %select_n3A_1639 : vector<1024x128xi32>
        %select_n3A_1642 = arith.select %eq3A_1634, %max3A_1640, %min3A_1641 : vector<1024x128xi1>, vector<1024x128xi32>
        %swap3A_1643 = arith.constant 0 : index
        %swap3A_1644 = arith.constant 0 : index
        %swap3A_1645 = vector.load %arg4[%swap3A_1643, %swap3A_1644] : memref<1024x128xi32, #tpu.memory_space<vmem>>, vector<1024x128xi32>
        tpu.vector_store %arg4[%swap3A_1643, %swap3A_1644], %select_n3A_1642 {strides = array<i32>} : memref<1024x128xi32, #tpu.memory_space<vmem>>, vector<1024x128xi32>,
        %while3A_1646 = arith.constant 0 : i32
        scf.yield %while3A_1646 : i32
      }
      %while3A_1455 = arith.constant 1 : i32
      %while3A_1456 = scf.for %while3A_1595 = %while3A_1452 to %while3A_1448 step %while3A_1455 iter_args(%while3A_1596 = %while3A_1454) -> (i32)  : i32 {
        %mul3A_1597 = arith.constant 2 : i32
        %mul3A_1598 = arith.muli %mul3A_1597, %while3A_1595 : i32
        %sub3A_1599 = arith.subi %scan3A_1432, %mul3A_1598 : i32
        %shift_left3A_1600 = arith.constant 1 : i32
        %shift_left3A_1601 = arith.shli %shift_left3A_1600, %sub3A_1599 : i32
        %get3A_1602 = arith.constant 0 : index
        %get3A_1603 = arith.constant 0 : index
        %get3A_1604 = vector.load %arg4[%get3A_1602, %get3A_1603] : memref<1024x128xi32, #tpu.memory_space<vmem>>, vector<1024x128xi32>
        %shift_right_logical3A_1605 = arith.constant 7 : i32
        %shift_right_logical3A_1606 = arith.shrui %shift_left3A_1601, %shift_right_logical3A_1605 : i32
        %and3A_1607 = vector.broadcast %shift_left3A_1601 : i32 to vector<1024x128xi32>
        %and3A_1608 = arith.andi %add3A, %and3A_1607 : vector<1024x128xi32>
        %eq3A_1609 = arith.constant 0 : i32
        %eq3A_1610 = vector.broadcast %eq3A_1609 : i32 to vector<1024x128xi32>
        %eq3A_1611 = arith.cmpi eq, %and3A_1608, %eq3A_1610 : vector<1024x128xi32>
        %eq3A_1612 = arith.xori %eq3A_1611, %eq3A_1441 : vector<1024x128xi1>
        %eq3A_1613 = arith.constant dense<true> : vector<1024x128xi1>
        %eq3A_1614 = arith.xori %eq3A_1612, %eq3A_1613 : vector<1024x128xi1>
        %sub3A_1615 = arith.constant 1024 : i32
        %sub3A_1616 = arith.subi %sub3A_1615, %shift_right_logical3A_1606 : i32
        %roll3A_1617 = tpu.dynamic_rotate %get3A_1604 by %sub3A_1616 dim 0 : vector<1024x128xi32>, i32 -> vector<1024x128xi32>
        %roll3A_1618 = tpu.dynamic_rotate %get3A_1604 by %shift_right_logical3A_1606 dim 0 : vector<1024x128xi32>, i32 -> vector<1024x128xi32>
        %select_n3A_1619 = arith.select %eq3A_1611, %roll3A_1617, %roll3A_1618 : vector<1024x128xi1>, vector<1024x128xi32>
        %max3A_1620 = arith.maxsi %get3A_1604, %select_n3A_1619 : vector<1024x128xi32>
        %min3A_1621 = arith.minsi %get3A_1604, %select_n3A_1619 : vector<1024x128xi32>
        %select_n3A_1622 = arith.select %eq3A_1614, %max3A_1620, %min3A_1621 : vector<1024x128xi1>, vector<1024x128xi32>
        %shift_right_logical3A_1623 = arith.constant 1 : i32
        %shift_right_logical3A_1624 = arith.shrui %shift_left3A_1601, %shift_right_logical3A_1623 : i32
        %shift_right_logical3A_1625 = arith.constant 7 : i32
        %shift_right_logical3A_1626 = arith.shrui %shift_right_logical3A_1624, %shift_right_logical3A_1625 : i32
        %and3A_1627 = vector.broadcast %shift_right_logical3A_1624 : i32 to vector<1024x128xi32>
        %and3A_1628 = arith.andi %add3A, %and3A_1627 : vector<1024x128xi32>
        %eq3A_1629 = arith.constant 0 : i32
        %eq3A_1630 = vector.broadcast %eq3A_1629 : i32 to vector<1024x128xi32>
        %eq3A_1631 = arith.cmpi eq, %and3A_1628, %eq3A_1630 : vector<1024x128xi32>
        %eq3A_1632 = arith.xori %eq3A_1631, %eq3A_1441 : vector<1024x128xi1>
        %eq3A_1633 = arith.constant dense<true> : vector<1024x128xi1>
        %eq3A_1634 = arith.xori %eq3A_1632, %eq3A_1633 : vector<1024x128xi1>
        %sub3A_1635 = arith.constant 1024 : i32
        %sub3A_1636 = arith.subi %sub3A_1635, %shift_right_logical3A_1626 : i32
        %roll3A_1637 = tpu.dynamic_rotate %select_n3A_1622 by %sub3A_1636 dim 0 : vector<1024x128xi32>, i32 -> vector<1024x128xi32>
        %roll3A_1638 = tpu.dynamic_rotate %select_n3A_1622 by %shift_right_logical3A_1626 dim 0 : vector<1024x128xi32>, i32 -> vector<1024x128xi32>
        %select_n3A_1639 = arith.select %eq3A_1631, %roll3A_1637, %roll3A_1638 : vector<1024x128xi1>, vector<1024x128xi32>
        %max3A_1640 = arith.maxsi %select_n3A_1622, %select_n3A_1639 : vector<1024x128xi32>
        %min3A_1641 = arith.minsi %select_n3A_1622, %select_n3A_1639 : vector<1024x128xi32>
        %select_n3A_1642 = arith.select %eq3A_1634, %max3A_1640, %min3A_1641 : vector<1024x128xi1>, vector<1024x128xi32>
        %swap3A_1643 = arith.constant 0 : index
        %swap3A_1644 = arith.constant 0 : index
        %swap3A_1645 = vector.load %arg4[%swap3A_1643, %swap3A_1644] : memref<1024x128xi32, #tpu.memory_space<vmem>>, vector<1024x128xi32>
        tpu.vector_store %arg4[%swap3A_1643, %swap3A_1644], %select_n3A_1642 {strides = array<i32>} : memref<1024x128xi32, #tpu.memory_space<vmem>>, vector<1024x128xi32>,
        %while3A_1646 = arith.constant 0 : i32
        scf.yield %while3A_1646 : i32
      }
      %mul3A_1457 = arith.constant 2 : i32
      %mul3A_1458 = arith.muli %mul3A_1457, %shift_right_logical3A_1445 : i32
      %while3A_1459 = arith.constant 0 : i32
      %while3A_1460 = arith.subi %sub3A_1443, %mul3A_1458 : i32
      %while3A_1461 = arith.addi %mul3A_1458, %while3A_1460 : i32
      %while3A_1462 = arith.constant 1 : i32
      %while3A_1463 = arith.divsi %while3A_1460, %while3A_1462 : i32
      %while3A_1464 = arith.muli %while3A_1463, %while3A_1462 : i32
      %while3A_1465 = arith.addi %mul3A_1458, %while3A_1464 : i32
      %while3A_1466 = arith.constant 1 : i32
      %while3A_1467 = scf.for %while3A_1595 = %mul3A_1458 to %while3A_1465 step %while3A_1466 iter_args(%while3A_1596 = %while3A_1459) -> (i32)  : i32 {
        %sub3A_1597 = arith.subi %scan3A_1432, %while3A_1595 : i32
        %shift_left3A_1598 = arith.constant 1 : i32
        %shift_left3A_1599 = arith.shli %shift_left3A_1598, %sub3A_1597 : i32
        %get3A_1600 = arith.constant 0 : index
        %get3A_1601 = arith.constant 0 : index
        %get3A_1602 = vector.load %arg4[%get3A_1600, %get3A_1601] : memref<1024x128xi32, #tpu.memory_space<vmem>>, vector<1024x128xi32>
        %shift_right_logical3A_1603 = arith.constant 7 : i32
        %shift_right_logical3A_1604 = arith.shrui %shift_left3A_1599, %shift_right_logical3A_1603 : i32
        %and3A_1605 = vector.broadcast %shift_left3A_1599 : i32 to vector<1024x128xi32>
        %and3A_1606 = arith.andi %add3A, %and3A_1605 : vector<1024x128xi32>
        %eq3A_1607 = arith.constant 0 : i32
        %eq3A_1608 = vector.broadcast %eq3A_1607 : i32 to vector<1024x128xi32>
        %eq3A_1609 = arith.cmpi eq, %and3A_1606, %eq3A_1608 : vector<1024x128xi32>
        %eq3A_1610 = arith.xori %eq3A_1609, %eq3A_1441 : vector<1024x128xi1>
        %eq3A_1611 = arith.constant dense<true> : vector<1024x128xi1>
        %eq3A_1612 = arith.xori %eq3A_1610, %eq3A_1611 : vector<1024x128xi1>
        %sub3A_1613 = arith.constant 1024 : i32
        %sub3A_1614 = arith.subi %sub3A_1613, %shift_right_logical3A_1604 : i32
        %roll3A_1615 = tpu.dynamic_rotate %get3A_1602 by %sub3A_1614 dim 0 : vector<1024x128xi32>, i32 -> vector<1024x128xi32>
        %roll3A_1616 = tpu.dynamic_rotate %get3A_1602 by %shift_right_logical3A_1604 dim 0 : vector<1024x128xi32>, i32 -> vector<1024x128xi32>
        %select_n3A_1617 = arith.select %eq3A_1609, %roll3A_1615, %roll3A_1616 : vector<1024x128xi1>, vector<1024x128xi32>
        %max3A_1618 = arith.maxsi %get3A_1602, %select_n3A_1617 : vector<1024x128xi32>
        %min3A_1619 = arith.minsi %get3A_1602, %select_n3A_1617 : vector<1024x128xi32>
        %select_n3A_1620 = arith.select %eq3A_1612, %max3A_1618, %min3A_1619 : vector<1024x128xi1>, vector<1024x128xi32>
        %swap3A_1621 = arith.constant 0 : index
        %swap3A_1622 = arith.constant 0 : index
        %swap3A_1623 = vector.load %arg4[%swap3A_1621, %swap3A_1622] : memref<1024x128xi32, #tpu.memory_space<vmem>>, vector<1024x128xi32>
        tpu.vector_store %arg4[%swap3A_1621, %swap3A_1622], %select_n3A_1620 {strides = array<i32>} : memref<1024x128xi32, #tpu.memory_space<vmem>>, vector<1024x128xi32>,
        %while3A_1624 = arith.constant 0 : i32
        scf.yield %while3A_1624 : i32
      }
      %while3A_1468 = arith.constant 1 : i32
      %while3A_1469 = scf.for %while3A_1595 = %while3A_1465 to %while3A_1461 step %while3A_1468 iter_args(%while3A_1596 = %while3A_1467) -> (i32)  : i32 {
        %sub3A_1597 = arith.subi %scan3A_1432, %while3A_1595 : i32
        %shift_left3A_1598 = arith.constant 1 : i32
        %shift_left3A_1599 = arith.shli %shift_left3A_1598, %sub3A_1597 : i32
        %get3A_1600 = arith.constant 0 : index
        %get3A_1601 = arith.constant 0 : index
        %get3A_1602 = vector.load %arg4[%get3A_1600, %get3A_1601] : memref<1024x128xi32, #tpu.memory_space<vmem>>, vector<1024x128xi32>
        %shift_right_logical3A_1603 = arith.constant 7 : i32
        %shift_right_logical3A_1604 = arith.shrui %shift_left3A_1599, %shift_right_logical3A_1603 : i32
        %and3A_1605 = vector.broadcast %shift_left3A_1599 : i32 to vector<1024x128xi32>
        %and3A_1606 = arith.andi %add3A, %and3A_1605 : vector<1024x128xi32>
        %eq3A_1607 = arith.constant 0 : i32
        %eq3A_1608 = vector.broadcast %eq3A_1607 : i32 to vector<1024x128xi32>
        %eq3A_1609 = arith.cmpi eq, %and3A_1606, %eq3A_1608 : vector<1024x128xi32>
        %eq3A_1610 = arith.xori %eq3A_1609, %eq3A_1441 : vector<1024x128xi1>
        %eq3A_1611 = arith.constant dense<true> : vector<1024x128xi1>
        %eq3A_1612 = arith.xori %eq3A_1610, %eq3A_1611 : vector<1024x128xi1>
        %sub3A_1613 = arith.constant 1024 : i32
        %sub3A_1614 = arith.subi %sub3A_1613, %shift_right_logical3A_1604 : i32
        %roll3A_1615 = tpu.dynamic_rotate %get3A_1602 by %sub3A_1614 dim 0 : vector<1024x128xi32>, i32 -> vector<1024x128xi32>
        %roll3A_1616 = tpu.dynamic_rotate %get3A_1602 by %shift_right_logical3A_1604 dim 0 : vector<1024x128xi32>, i32 -> vector<1024x128xi32>
        %select_n3A_1617 = arith.select %eq3A_1609, %roll3A_1615, %roll3A_1616 : vector<1024x128xi1>, vector<1024x128xi32>
        %max3A_1618 = arith.maxsi %get3A_1602, %select_n3A_1617 : vector<1024x128xi32>
        %min3A_1619 = arith.minsi %get3A_1602, %select_n3A_1617 : vector<1024x128xi32>
        %select_n3A_1620 = arith.select %eq3A_1612, %max3A_1618, %min3A_1619 : vector<1024x128xi1>, vector<1024x128xi32>
        %swap3A_1621 = arith.constant 0 : index
        %swap3A_1622 = arith.constant 0 : index
        %swap3A_1623 = vector.load %arg4[%swap3A_1621, %swap3A_1622] : memref<1024x128xi32, #tpu.memory_space<vmem>>, vector<1024x128xi32>
        tpu.vector_store %arg4[%swap3A_1621, %swap3A_1622], %select_n3A_1620 {strides = array<i32>} : memref<1024x128xi32, #tpu.memory_space<vmem>>, vector<1024x128xi32>,
        %while3A_1624 = arith.constant 0 : i32
        scf.yield %while3A_1624 : i32
      }
      %get3A_1470 = arith.constant 0 : index
      %get3A_1471 = arith.constant 0 : index
      %get3A_1472 = vector.load %arg4[%get3A_1470, %get3A_1471] : memref<1024x128xi32, #tpu.memory_space<vmem>>, vector<1024x128xi32>
      %and3A_1473 = arith.constant 64 : i32
      %and3A_1474 = vector.broadcast %and3A_1473 : i32 to vector<1024x128xi32>
      %and3A_1475 = arith.andi %add3A, %and3A_1474 : vector<1024x128xi32>
      %eq3A_1476 = arith.constant 0 : i32
      %eq3A_1477 = vector.broadcast %eq3A_1476 : i32 to vector<1024x128xi32>
      %eq3A_1478 = arith.cmpi eq, %and3A_1475, %eq3A_1477 : vector<1024x128xi32>
      %eq3A_1479 = arith.xori %eq3A_1478, %eq3A_1441 : vector<1024x128xi1>
      %eq3A_1480 = arith.constant dense<true> : vector<1024x128xi1>
      %eq3A_1481 = arith.xori %eq3A_1479, %eq3A_1480 : vector<1024x128xi1>
      %roll3A_1482 = arith.constant 64 : i32
      %roll3A_1483 = tpu.dynamic_rotate %get3A_1472 by %roll3A_1482 dim 1 : vector<1024x128xi32>, i32 -> vector<1024x128xi32>
      %roll3A_1484 = arith.constant 64 : i32
      %roll3A_1485 = tpu.dynamic_rotate %get3A_1472 by %roll3A_1484 dim 1 : vector<1024x128xi32>, i32 -> vector<1024x128xi32>
      %select_n3A_1486 = arith.select %eq3A_1478, %roll3A_1483, %roll3A_1485 : vector<1024x128xi1>, vector<1024x128xi32>
      %max3A_1487 = arith.maxsi %get3A_1472, %select_n3A_1486 : vector<1024x128xi32>
      %min3A_1488 = arith.minsi %get3A_1472, %select_n3A_1486 : vector<1024x128xi32>
      %select_n3A_1489 = arith.select %eq3A_1481, %max3A_1487, %min3A_1488 : vector<1024x128xi1>, vector<1024x128xi32>
      %and3A_1490 = arith.constant 32 : i32
      %and3A_1491 = vector.broadcast %and3A_1490 : i32 to vector<1024x128xi32>
      %and3A_1492 = arith.andi %add3A, %and3A_1491 : vector<1024x128xi32>
      %eq3A_1493 = arith.constant 0 : i32
      %eq3A_1494 = vector.broadcast %eq3A_1493 : i32 to vector<1024x128xi32>
      %eq3A_1495 = arith.cmpi eq, %and3A_1492, %eq3A_1494 : vector<1024x128xi32>
      %eq3A_1496 = arith.xori %eq3A_1495, %eq3A_1441 : vector<1024x128xi1>
      %eq3A_1497 = arith.constant dense<true> : vector<1024x128xi1>
      %eq3A_1498 = arith.xori %eq3A_1496, %eq3A_1497 : vector<1024x128xi1>
      %roll3A_1499 = arith.constant 96 : i32
      %roll3A_1500 = tpu.dynamic_rotate %select_n3A_1489 by %roll3A_1499 dim 1 : vector<1024x128xi32>, i32 -> vector<1024x128xi32>
      %roll3A_1501 = arith.constant 32 : i32
      %roll3A_1502 = tpu.dynamic_rotate %select_n3A_1489 by %roll3A_1501 dim 1 : vector<1024x128xi32>, i32 -> vector<1024x128xi32>
      %select_n3A_1503 = arith.select %eq3A_1495, %roll3A_1500, %roll3A_1502 : vector<1024x128xi1>, vector<1024x128xi32>
      %max3A_1504 = arith.maxsi %select_n3A_1489, %select_n3A_1503 : vector<1024x128xi32>
      %min3A_1505 = arith.minsi %select_n3A_1489, %select_n3A_1503 : vector<1024x128xi32>
      %select_n3A_1506 = arith.select %eq3A_1498, %max3A_1504, %min3A_1505 : vector<1024x128xi1>, vector<1024x128xi32>
      %and3A_1507 = arith.constant 16 : i32
      %and3A_1508 = vector.broadcast %and3A_1507 : i32 to vector<1024x128xi32>
      %and3A_1509 = arith.andi %add3A, %and3A_1508 : vector<1024x128xi32>
      %eq3A_1510 = arith.constant 0 : i32
      %eq3A_1511 = vector.broadcast %eq3A_1510 : i32 to vector<1024x128xi32>
      %eq3A_1512 = arith.cmpi eq, %and3A_1509, %eq3A_1511 : vector<1024x128xi32>
      %eq3A_1513 = arith.xori %eq3A_1512, %eq3A_1441 : vector<1024x128xi1>
      %eq3A_1514 = arith.constant dense<true> : vector<1024x128xi1>
      %eq3A_1515 = arith.xori %eq3A_1513, %eq3A_1514 : vector<1024x128xi1>
      %roll3A_1516 = arith.constant 112 : i32
      %roll3A_1517 = tpu.dynamic_rotate %select_n3A_1506 by %roll3A_1516 dim 1 : vector<1024x128xi32>, i32 -> vector<1024x128xi32>
      %roll3A_1518 = arith.constant 16 : i32
      %roll3A_1519 = tpu.dynamic_rotate %select_n3A_1506 by %roll3A_1518 dim 1 : vector<1024x128xi32>, i32 -> vector<1024x128xi32>
      %select_n3A_1520 = arith.select %eq3A_1512, %roll3A_1517, %roll3A_1519 : vector<1024x128xi1>, vector<1024x128xi32>
      %max3A_1521 = arith.maxsi %select_n3A_1506, %select_n3A_1520 : vector<1024x128xi32>
      %min3A_1522 = arith.minsi %select_n3A_1506, %select_n3A_1520 : vector<1024x128xi32>
      %select_n3A_1523 = arith.select %eq3A_1515, %max3A_1521, %min3A_1522 : vector<1024x128xi1>, vector<1024x128xi32>
      %and3A_1524 = arith.constant 8 : i32
      %and3A_1525 = vector.broadcast %and3A_1524 : i32 to vector<1024x128xi32>
      %and3A_1526 = arith.andi %add3A, %and3A_1525 : vector<1024x128xi32>
      %eq3A_1527 = arith.constant 0 : i32
      %eq3A_1528 = vector.broadcast %eq3A_1527 : i32 to vector<1024x128xi32>
      %eq3A_1529 = arith.cmpi eq, %and3A_1526, %eq3A_1528 : vector<1024x128xi32>
      %eq3A_1530 = arith.xori %eq3A_1529, %eq3A_1441 : vector<1024x128xi1>
      %eq3A_1531 = arith.constant dense<true> : vector<1024x128xi1>
      %eq3A_1532 = arith.xori %eq3A_1530, %eq3A_1531 : vector<1024x128xi1>
      %roll3A_1533 = arith.constant 120 : i32
      %roll3A_1534 = tpu.dynamic_rotate %select_n3A_1523 by %roll3A_1533 dim 1 : vector<1024x128xi32>, i32 -> vector<1024x128xi32>
      %roll3A_1535 = arith.constant 8 : i32
      %roll3A_1536 = tpu.dynamic_rotate %select_n3A_1523 by %roll3A_1535 dim 1 : vector<1024x128xi32>, i32 -> vector<1024x128xi32>
      %select_n3A_1537 = arith.select %eq3A_1529, %roll3A_1534, %roll3A_1536 : vector<1024x128xi1>, vector<1024x128xi32>
      %max3A_1538 = arith.maxsi %select_n3A_1523, %select_n3A_1537 : vector<1024x128xi32>
      %min3A_1539 = arith.minsi %select_n3A_1523, %select_n3A_1537 : vector<1024x128xi32>
      %select_n3A_1540 = arith.select %eq3A_1532, %max3A_1538, %min3A_1539 : vector<1024x128xi1>, vector<1024x128xi32>
      %and3A_1541 = arith.constant 4 : i32
      %and3A_1542 = vector.broadcast %and3A_1541 : i32 to vector<1024x128xi32>
      %and3A_1543 = arith.andi %add3A, %and3A_1542 : vector<1024x128xi32>
      %eq3A_1544 = arith.constant 0 : i32
      %eq3A_1545 = vector.broadcast %eq3A_1544 : i32 to vector<1024x128xi32>
      %eq3A_1546 = arith.cmpi eq, %and3A_1543, %eq3A_1545 : vector<1024x128xi32>
      %eq3A_1547 = arith.xori %eq3A_1546, %eq3A_1441 : vector<1024x128xi1>
      %eq3A_1548 = arith.constant dense<true> : vector<1024x128xi1>
      %eq3A_1549 = arith.xori %eq3A_1547, %eq3A_1548 : vector<1024x128xi1>
      %roll3A_1550 = arith.constant 124 : i32
      %roll3A_1551 = tpu.dynamic_rotate %select_n3A_1540 by %roll3A_1550 dim 1 : vector<1024x128xi32>, i32 -> vector<1024x128xi32>
      %roll3A_1552 = arith.constant 4 : i32
      %roll3A_1553 = tpu.dynamic_rotate %select_n3A_1540 by %roll3A_1552 dim 1 : vector<1024x128xi32>, i32 -> vector<1024x128xi32>
      %select_n3A_1554 = arith.select %eq3A_1546, %roll3A_1551, %roll3A_1553 : vector<1024x128xi1>, vector<1024x128xi32>
      %max3A_1555 = arith.maxsi %select_n3A_1540, %select_n3A_1554 : vector<1024x128xi32>
      %min3A_1556 = arith.minsi %select_n3A_1540, %select_n3A_1554 : vector<1024x128xi32>
      %select_n3A_1557 = arith.select %eq3A_1549, %max3A_1555, %min3A_1556 : vector<1024x128xi1>, vector<1024x128xi32>
      %and3A_1558 = arith.constant 2 : i32
      %and3A_1559 = vector.broadcast %and3A_1558 : i32 to vector<1024x128xi32>
      %and3A_1560 = arith.andi %add3A, %and3A_1559 : vector<1024x128xi32>
      %eq3A_1561 = arith.constant 0 : i32
      %eq3A_1562 = vector.broadcast %eq3A_1561 : i32 to vector<1024x128xi32>
      %eq3A_1563 = arith.cmpi eq, %and3A_1560, %eq3A_1562 : vector<1024x128xi32>
      %eq3A_1564 = arith.xori %eq3A_1563, %eq3A_1441 : vector<1024x128xi1>
      %eq3A_1565 = arith.constant dense<true> : vector<1024x128xi1>
      %eq3A_1566 = arith.xori %eq3A_1564, %eq3A_1565 : vector<1024x128xi1>
      %roll3A_1567 = arith.constant 126 : i32
      %roll3A_1568 = tpu.dynamic_rotate %select_n3A_1557 by %roll3A_1567 dim 1 : vector<1024x128xi32>, i32 -> vector<1024x128xi32>
      %roll3A_1569 = arith.constant 2 : i32
      %roll3A_1570 = tpu.dynamic_rotate %select_n3A_1557 by %roll3A_1569 dim 1 : vector<1024x128xi32>, i32 -> vector<1024x128xi32>
      %select_n3A_1571 = arith.select %eq3A_1563, %roll3A_1568, %roll3A_1570 : vector<1024x128xi1>, vector<1024x128xi32>
      %max3A_1572 = arith.maxsi %select_n3A_1557, %select_n3A_1571 : vector<1024x128xi32>
      %min3A_1573 = arith.minsi %select_n3A_1557, %select_n3A_1571 : vector<1024x128xi32>
      %select_n3A_1574 = arith.select %eq3A_1566, %max3A_1572, %min3A_1573 : vector<1024x128xi1>, vector<1024x128xi32>
      %and3A_1575 = arith.constant 1 : i32
      %and3A_1576 = vector.broadcast %and3A_1575 : i32 to vector<1024x128xi32>
      %and3A_1577 = arith.andi %add3A, %and3A_1576 : vector<1024x128xi32>
      %eq3A_1578 = arith.constant 0 : i32
      %eq3A_1579 = vector.broadcast %eq3A_1578 : i32 to vector<1024x128xi32>
      %eq3A_1580 = arith.cmpi eq, %and3A_1577, %eq3A_1579 : vector<1024x128xi32>
      %eq3A_1581 = arith.xori %eq3A_1580, %eq3A_1441 : vector<1024x128xi1>
      %eq3A_1582 = arith.constant dense<true> : vector<1024x128xi1>
      %eq3A_1583 = arith.xori %eq3A_1581, %eq3A_1582 : vector<1024x128xi1>
      %roll3A_1584 = arith.constant 127 : i32
      %roll3A_1585 = tpu.dynamic_rotate %select_n3A_1574 by %roll3A_1584 dim 1 : vector<1024x128xi32>, i32 -> vector<1024x128xi32>
      %roll3A_1586 = arith.constant 1 : i32
      %roll3A_1587 = tpu.dynamic_rotate %select_n3A_1574 by %roll3A_1586 dim 1 : vector<1024x128xi32>, i32 -> vector<1024x128xi32>
      %select_n3A_1588 = arith.select %eq3A_1580, %roll3A_1585, %roll3A_1587 : vector<1024x128xi1>, vector<1024x128xi32>
      %max3A_1589 = arith.maxsi %select_n3A_1574, %select_n3A_1588 : vector<1024x128xi32>
      %min3A_1590 = arith.minsi %select_n3A_1574, %select_n3A_1588 : vector<1024x128xi32>
      %select_n3A_1591 = arith.select %eq3A_1583, %max3A_1589, %min3A_1590 : vector<1024x128xi1>, vector<1024x128xi32>
      %swap3A_1592 = arith.constant 0 : index
      %swap3A_1593 = arith.constant 0 : index
      %swap3A_1594 = vector.load %arg4[%swap3A_1592, %swap3A_1593] : memref<1024x128xi32, #tpu.memory_space<vmem>>, vector<1024x128xi32>
      tpu.vector_store %arg4[%swap3A_1592, %swap3A_1593], %select_n3A_1591 {strides = array<i32>} : memref<1024x128xi32, #tpu.memory_space<vmem>>, vector<1024x128xi32>,
    }
    %scan3A_773 = arith.constant 10 : i32
    %get3A_774 = arith.constant 0 : index
    %get3A_775 = arith.constant 0 : index
    %get3A_776 = vector.load %arg4[%get3A_774, %get3A_775] : memref<1024x128xi32, #tpu.memory_space<vmem>>, vector<1024x128xi32>
    %bitcast3A_777 = tpu.bitcast %get3A_776 : vector<1024x128xi32> -> vector<1024x128xf32>
    %ge3A = arith.constant 1 : i32
    %ge3A_778 = vector.broadcast %ge3A : i32 to vector<1024x128xi32>
    %ge3A_779 = arith.cmpi sge, %iota3A_11, %ge3A_778 : vector<1024x128xi32>
    %roll3A_780 = arith.constant 1 : i32
    %roll3A_781 = tpu.dynamic_rotate %bitcast3A_777 by %roll3A_780 dim 1 : vector<1024x128xf32>, i32 -> vector<1024x128xf32>
    %jit3A = arith.constant 0.000000e+00 : f32
    %broadcast_in_dim3A_782 = vector.broadcast %jit3A : f32 to vector<1024x128xf32>
    %select_n3A_783 = arith.select %ge3A_779, %roll3A_781, %broadcast_in_dim3A_782 : vector<1024x128xi1>, vector<1024x128xf32>
    %add3A_784 = arith.addf %bitcast3A_777, %select_n3A_783 : vector<1024x128xf32>
    %ge3A_785 = arith.constant 2 : i32
    %ge3A_786 = vector.broadcast %ge3A_785 : i32 to vector<1024x128xi32>
    %ge3A_787 = arith.cmpi sge, %iota3A_11, %ge3A_786 : vector<1024x128xi32>
    %roll3A_788 = arith.constant 2 : i32
    %roll3A_789 = tpu.dynamic_rotate %add3A_784 by %roll3A_788 dim 1 : vector<1024x128xf32>, i32 -> vector<1024x128xf32>
    %jit3A_790 = arith.constant 0.000000e+00 : f32
    %broadcast_in_dim3A_791 = vector.broadcast %jit3A_790 : f32 to vector<1024x128xf32>
    %select_n3A_792 = arith.select %ge3A_787, %roll3A_789, %broadcast_in_dim3A_791 : vector<1024x128xi1>, vector<1024x128xf32>
    %add3A_793 = arith.addf %add3A_784, %select_n3A_792 : vector<1024x128xf32>
    %ge3A_794 = arith.constant 4 : i32
    %ge3A_795 = vector.broadcast %ge3A_794 : i32 to vector<1024x128xi32>
    %ge3A_796 = arith.cmpi sge, %iota3A_11, %ge3A_795 : vector<1024x128xi32>
    %roll3A_797 = arith.constant 4 : i32
    %roll3A_798 = tpu.dynamic_rotate %add3A_793 by %roll3A_797 dim 1 : vector<1024x128xf32>, i32 -> vector<1024x128xf32>
    %jit3A_799 = arith.constant 0.000000e+00 : f32
    %broadcast_in_dim3A_800 = vector.broadcast %jit3A_799 : f32 to vector<1024x128xf32>
    %select_n3A_801 = arith.select %ge3A_796, %roll3A_798, %broadcast_in_dim3A_800 : vector<1024x128xi1>, vector<1024x128xf32>
    %add3A_802 = arith.addf %add3A_793, %select_n3A_801 : vector<1024x128xf32>
    %ge3A_803 = arith.constant 8 : i32
    %ge3A_804 = vector.broadcast %ge3A_803 : i32 to vector<1024x128xi32>
    %ge3A_805 = arith.cmpi sge, %iota3A_11, %ge3A_804 : vector<1024x128xi32>
    %roll3A_806 = arith.constant 8 : i32
    %roll3A_807 = tpu.dynamic_rotate %add3A_802 by %roll3A_806 dim 1 : vector<1024x128xf32>, i32 -> vector<1024x128xf32>
    %jit3A_808 = arith.constant 0.000000e+00 : f32
    %broadcast_in_dim3A_809 = vector.broadcast %jit3A_808 : f32 to vector<1024x128xf32>
    %select_n3A_810 = arith.select %ge3A_805, %roll3A_807, %broadcast_in_dim3A_809 : vector<1024x128xi1>, vector<1024x128xf32>
    %add3A_811 = arith.addf %add3A_802, %select_n3A_810 : vector<1024x128xf32>
    %ge3A_812 = arith.constant 16 : i32
    %ge3A_813 = vector.broadcast %ge3A_812 : i32 to vector<1024x128xi32>
    %ge3A_814 = arith.cmpi sge, %iota3A_11, %ge3A_813 : vector<1024x128xi32>
    %roll3A_815 = arith.constant 16 : i32
    %roll3A_816 = tpu.dynamic_rotate %add3A_811 by %roll3A_815 dim 1 : vector<1024x128xf32>, i32 -> vector<1024x128xf32>
    %jit3A_817 = arith.constant 0.000000e+00 : f32
    %broadcast_in_dim3A_818 = vector.broadcast %jit3A_817 : f32 to vector<1024x128xf32>
    %select_n3A_819 = arith.select %ge3A_814, %roll3A_816, %broadcast_in_dim3A_818 : vector<1024x128xi1>, vector<1024x128xf32>
    %add3A_820 = arith.addf %add3A_811, %select_n3A_819 : vector<1024x128xf32>
    %ge3A_821 = arith.constant 32 : i32
    %ge3A_822 = vector.broadcast %ge3A_821 : i32 to vector<1024x128xi32>
    %ge3A_823 = arith.cmpi sge, %iota3A_11, %ge3A_822 : vector<1024x128xi32>
    %roll3A_824 = arith.constant 32 : i32
    %roll3A_825 = tpu.dynamic_rotate %add3A_820 by %roll3A_824 dim 1 : vector<1024x128xf32>, i32 -> vector<1024x128xf32>
    %jit3A_826 = arith.constant 0.000000e+00 : f32
    %broadcast_in_dim3A_827 = vector.broadcast %jit3A_826 : f32 to vector<1024x128xf32>
    %select_n3A_828 = arith.select %ge3A_823, %roll3A_825, %broadcast_in_dim3A_827 : vector<1024x128xi1>, vector<1024x128xf32>
    %add3A_829 = arith.addf %add3A_820, %select_n3A_828 : vector<1024x128xf32>
    %ge3A_830 = arith.constant 64 : i32
    %ge3A_831 = vector.broadcast %ge3A_830 : i32 to vector<1024x128xi32>
    %ge3A_832 = arith.cmpi sge, %iota3A_11, %ge3A_831 : vector<1024x128xi32>
    %roll3A_833 = arith.constant 64 : i32
    %roll3A_834 = tpu.dynamic_rotate %add3A_829 by %roll3A_833 dim 1 : vector<1024x128xf32>, i32 -> vector<1024x128xf32>
    %jit3A_835 = arith.constant 0.000000e+00 : f32
    %broadcast_in_dim3A_836 = vector.broadcast %jit3A_835 : f32 to vector<1024x128xf32>
    %select_n3A_837 = arith.select %ge3A_832, %roll3A_834, %broadcast_in_dim3A_836 : vector<1024x128xi1>, vector<1024x128xf32>
    %add3A_838 = arith.addf %add3A_829, %select_n3A_837 : vector<1024x128xf32>
    %slice3A = vector.extract_strided_slice %add3A_838 {offsets = [0, 127], sizes = [1024, 1], strides = [1, 1]} : vector<1024x128xf32> to vector<1024x1xf32>
    %iota3A_839 = tpu.iota {dimensions = array<i32: 0>} : vector<1024x1xi32>
    %ge3A_840 = arith.constant 1 : i32
    %ge3A_841 = vector.broadcast %ge3A_840 : i32 to vector<1024x1xi32>
    %ge3A_842 = arith.cmpi sge, %iota3A_839, %ge3A_841 : vector<1024x1xi32>
    %roll3A_843 = arith.constant 1 : i32
    %roll3A_844 = tpu.dynamic_rotate %slice3A by %roll3A_843 dim 0 : vector<1024x1xf32>, i32 -> vector<1024x1xf32>
    %jit3A_845 = arith.constant 0.000000e+00 : f32
    %broadcast_in_dim3A_846 = vector.broadcast %jit3A_845 : f32 to vector<1024x1xf32>
    %select_n3A_847 = arith.select %ge3A_842, %roll3A_844, %broadcast_in_dim3A_846 : vector<1024x1xi1>, vector<1024x1xf32>
    %add3A_848 = arith.addf %slice3A, %select_n3A_847 : vector<1024x1xf32>
    %ge3A_849 = arith.constant 2 : i32
    %ge3A_850 = vector.broadcast %ge3A_849 : i32 to vector<1024x1xi32>
    %ge3A_851 = arith.cmpi sge, %iota3A_839, %ge3A_850 : vector<1024x1xi32>
    %roll3A_852 = arith.constant 2 : i32
    %roll3A_853 = tpu.dynamic_rotate %add3A_848 by %roll3A_852 dim 0 : vector<1024x1xf32>, i32 -> vector<1024x1xf32>
    %jit3A_854 = arith.constant 0.000000e+00 : f32
    %broadcast_in_dim3A_855 = vector.broadcast %jit3A_854 : f32 to vector<1024x1xf32>
    %select_n3A_856 = arith.select %ge3A_851, %roll3A_853, %broadcast_in_dim3A_855 : vector<1024x1xi1>, vector<1024x1xf32>
    %add3A_857 = arith.addf %add3A_848, %select_n3A_856 : vector<1024x1xf32>
    %ge3A_858 = arith.constant 4 : i32
    %ge3A_859 = vector.broadcast %ge3A_858 : i32 to vector<1024x1xi32>
    %ge3A_860 = arith.cmpi sge, %iota3A_839, %ge3A_859 : vector<1024x1xi32>
    %roll3A_861 = arith.constant 4 : i32
    %roll3A_862 = tpu.dynamic_rotate %add3A_857 by %roll3A_861 dim 0 : vector<1024x1xf32>, i32 -> vector<1024x1xf32>
    %jit3A_863 = arith.constant 0.000000e+00 : f32
    %broadcast_in_dim3A_864 = vector.broadcast %jit3A_863 : f32 to vector<1024x1xf32>
    %select_n3A_865 = arith.select %ge3A_860, %roll3A_862, %broadcast_in_dim3A_864 : vector<1024x1xi1>, vector<1024x1xf32>
    %add3A_866 = arith.addf %add3A_857, %select_n3A_865 : vector<1024x1xf32>
    %ge3A_867 = arith.constant 8 : i32
    %ge3A_868 = vector.broadcast %ge3A_867 : i32 to vector<1024x1xi32>
    %ge3A_869 = arith.cmpi sge, %iota3A_839, %ge3A_868 : vector<1024x1xi32>
    %roll3A_870 = arith.constant 8 : i32
    %roll3A_871 = tpu.dynamic_rotate %add3A_866 by %roll3A_870 dim 0 : vector<1024x1xf32>, i32 -> vector<1024x1xf32>
    %jit3A_872 = arith.constant 0.000000e+00 : f32
    %broadcast_in_dim3A_873 = vector.broadcast %jit3A_872 : f32 to vector<1024x1xf32>
    %select_n3A_874 = arith.select %ge3A_869, %roll3A_871, %broadcast_in_dim3A_873 : vector<1024x1xi1>, vector<1024x1xf32>
    %add3A_875 = arith.addf %add3A_866, %select_n3A_874 : vector<1024x1xf32>
    %ge3A_876 = arith.constant 16 : i32
    %ge3A_877 = vector.broadcast %ge3A_876 : i32 to vector<1024x1xi32>
    %ge3A_878 = arith.cmpi sge, %iota3A_839, %ge3A_877 : vector<1024x1xi32>
    %roll3A_879 = arith.constant 16 : i32
    %roll3A_880 = tpu.dynamic_rotate %add3A_875 by %roll3A_879 dim 0 : vector<1024x1xf32>, i32 -> vector<1024x1xf32>
    %jit3A_881 = arith.constant 0.000000e+00 : f32
    %broadcast_in_dim3A_882 = vector.broadcast %jit3A_881 : f32 to vector<1024x1xf32>
    %select_n3A_883 = arith.select %ge3A_878, %roll3A_880, %broadcast_in_dim3A_882 : vector<1024x1xi1>, vector<1024x1xf32>
    %add3A_884 = arith.addf %add3A_875, %select_n3A_883 : vector<1024x1xf32>
    %ge3A_885 = arith.constant 32 : i32
    %ge3A_886 = vector.broadcast %ge3A_885 : i32 to vector<1024x1xi32>
    %ge3A_887 = arith.cmpi sge, %iota3A_839, %ge3A_886 : vector<1024x1xi32>
    %roll3A_888 = arith.constant 32 : i32
    %roll3A_889 = tpu.dynamic_rotate %add3A_884 by %roll3A_888 dim 0 : vector<1024x1xf32>, i32 -> vector<1024x1xf32>
    %jit3A_890 = arith.constant 0.000000e+00 : f32
    %broadcast_in_dim3A_891 = vector.broadcast %jit3A_890 : f32 to vector<1024x1xf32>
    %select_n3A_892 = arith.select %ge3A_887, %roll3A_889, %broadcast_in_dim3A_891 : vector<1024x1xi1>, vector<1024x1xf32>
    %add3A_893 = arith.addf %add3A_884, %select_n3A_892 : vector<1024x1xf32>
    %ge3A_894 = arith.constant 64 : i32
    %ge3A_895 = vector.broadcast %ge3A_894 : i32 to vector<1024x1xi32>
    %ge3A_896 = arith.cmpi sge, %iota3A_839, %ge3A_895 : vector<1024x1xi32>
    %roll3A_897 = arith.constant 64 : i32
    %roll3A_898 = tpu.dynamic_rotate %add3A_893 by %roll3A_897 dim 0 : vector<1024x1xf32>, i32 -> vector<1024x1xf32>
    %jit3A_899 = arith.constant 0.000000e+00 : f32
    %broadcast_in_dim3A_900 = vector.broadcast %jit3A_899 : f32 to vector<1024x1xf32>
    %select_n3A_901 = arith.select %ge3A_896, %roll3A_898, %broadcast_in_dim3A_900 : vector<1024x1xi1>, vector<1024x1xf32>
    %add3A_902 = arith.addf %add3A_893, %select_n3A_901 : vector<1024x1xf32>
    %ge3A_903 = arith.constant 128 : i32
    %ge3A_904 = vector.broadcast %ge3A_903 : i32 to vector<1024x1xi32>
    %ge3A_905 = arith.cmpi sge, %iota3A_839, %ge3A_904 : vector<1024x1xi32>
    %roll3A_906 = arith.constant 128 : i32
    %roll3A_907 = tpu.dynamic_rotate %add3A_902 by %roll3A_906 dim 0 : vector<1024x1xf32>, i32 -> vector<1024x1xf32>
    %jit3A_908 = arith.constant 0.000000e+00 : f32
    %broadcast_in_dim3A_909 = vector.broadcast %jit3A_908 : f32 to vector<1024x1xf32>
    %select_n3A_910 = arith.select %ge3A_905, %roll3A_907, %broadcast_in_dim3A_909 : vector<1024x1xi1>, vector<1024x1xf32>
    %add3A_911 = arith.addf %add3A_902, %select_n3A_910 : vector<1024x1xf32>
    %ge3A_912 = arith.constant 256 : i32
    %ge3A_913 = vector.broadcast %ge3A_912 : i32 to vector<1024x1xi32>
    %ge3A_914 = arith.cmpi sge, %iota3A_839, %ge3A_913 : vector<1024x1xi32>
    %roll3A_915 = arith.constant 256 : i32
    %roll3A_916 = tpu.dynamic_rotate %add3A_911 by %roll3A_915 dim 0 : vector<1024x1xf32>, i32 -> vector<1024x1xf32>
    %jit3A_917 = arith.constant 0.000000e+00 : f32
    %broadcast_in_dim3A_918 = vector.broadcast %jit3A_917 : f32 to vector<1024x1xf32>
    %select_n3A_919 = arith.select %ge3A_914, %roll3A_916, %broadcast_in_dim3A_918 : vector<1024x1xi1>, vector<1024x1xf32>
    %add3A_920 = arith.addf %add3A_911, %select_n3A_919 : vector<1024x1xf32>
    %ge3A_921 = arith.constant 512 : i32
    %ge3A_922 = vector.broadcast %ge3A_921 : i32 to vector<1024x1xi32>
    %ge3A_923 = arith.cmpi sge, %iota3A_839, %ge3A_922 : vector<1024x1xi32>
    %roll3A_924 = arith.constant 512 : i32
    %roll3A_925 = tpu.dynamic_rotate %add3A_920 by %roll3A_924 dim 0 : vector<1024x1xf32>, i32 -> vector<1024x1xf32>
    %jit3A_926 = arith.constant 0.000000e+00 : f32
    %broadcast_in_dim3A_927 = vector.broadcast %jit3A_926 : f32 to vector<1024x1xf32>
    %select_n3A_928 = arith.select %ge3A_923, %roll3A_925, %broadcast_in_dim3A_927 : vector<1024x1xi1>, vector<1024x1xf32>
    %add3A_929 = arith.addf %add3A_920, %select_n3A_928 : vector<1024x1xf32>
    %sub3A_930 = arith.subf %add3A_929, %slice3A : vector<1024x1xf32>
    %add3A_931 = vector.broadcast %sub3A_930 : vector<1024x1xf32> to vector<1024x128xf32>
    %add3A_932 = arith.addf %add3A_838, %add3A_931 : vector<1024x128xf32>
    %lt3A = arith.constant 0.899999976 : f32
    %lt3A_933 = vector.broadcast %lt3A : f32 to vector<1024x128xf32>
    %lt3A_934 = arith.cmpf olt, %add3A_932, %lt3A_933 : vector<1024x128xf32>
    %convert_element_type3A_935 = arith.extui %lt3A_934 : vector<1024x128xi1> to vector<1024x128xi32>
    %reduce_sum3A_936 = vector.shape_cast %convert_element_type3A_935 : vector<1024x128xi32> to vector<1x1024x128xi32>
    %reduce_sum3A_937 = arith.constant dense<0> : vector<1xi32>
    %reduce_sum3A_938 = vector.multi_reduction <add>, %reduce_sum3A_936, %reduce_sum3A_937 [1, 2] : vector<1x1024x128xi32> to vector<1xi32>
    %reduce_sum3A_939 = vector.shape_cast %reduce_sum3A_938 : vector<1xi32> to vector<1x1x1xi32>
    %reduce_sum3A_940 = vector.extract %reduce_sum3A_939[0, 0, 0] : i32 from vector<1x1x1xi32>
    %le3A = vector.broadcast %reduce_sum3A_940 : i32 to vector<1024x128xi32>
    %le3A_941 = arith.cmpi sle, %add3A, %le3A : vector<1024x128xi32>
    %jit3A_942 = arith.constant 0.000000e+00 : f32
    %broadcast_in_dim3A_943 = vector.broadcast %jit3A_942 : f32 to vector<1024x128xf32>
    %select_n3A_944 = arith.select %le3A_941, %bitcast3A_777, %broadcast_in_dim3A_943 : vector<1024x128xi1>, vector<1024x128xf32>
    %reduce_sum3A_945 = vector.shape_cast %select_n3A_944 : vector<1024x128xf32> to vector<1x1024x128xf32>
    %reduce_sum3A_946 = arith.constant dense<0.000000e+00> : vector<1xf32>
    %reduce_sum3A_947 = vector.multi_reduction <add>, %reduce_sum3A_945, %reduce_sum3A_946 [1, 2] : vector<1x1024x128xf32> to vector<1xf32>
    %reduce_sum3A_948 = vector.shape_cast %reduce_sum3A_947 : vector<1xf32> to vector<1x1x1xf32>
    %reduce_sum3A_949 = vector.extract %reduce_sum3A_948[0, 0, 0] : f32 from vector<1x1x1xf32>
    %xor3A_950 = arith.xori %get3A_7, %get3A_10 : i32
    %xor3A_951 = arith.constant 466688986 : i32
    %xor3A_952 = arith.xori %xor3A_950, %xor3A_951 : i32
    %add3A_953 = vector.broadcast %get3A_7 : i32 to vector<1024x128xi32>
    %add3A_954 = arith.addi %broadcast_in_dim3A_14, %add3A_953 : vector<1024x128xi32>
    %add3A_955 = vector.broadcast %get3A_10 : i32 to vector<1024x128xi32>
    %add3A_956 = arith.addi %add3A, %add3A_955 : vector<1024x128xi32>
    %add3A_957 = arith.addi %add3A_954, %add3A_956 : vector<1024x128xi32>
    %shift_left3A_958 = arith.constant 13 : i32
    %shift_left3A_959 = vector.broadcast %shift_left3A_958 : i32 to vector<1024x128xi32>
    %shift_left3A_960 = arith.shli %add3A_956, %shift_left3A_959 : vector<1024x128xi32>
    %shift_right_logical3A_961 = arith.constant 19 : i32
    %shift_right_logical3A_962 = vector.broadcast %shift_right_logical3A_961 : i32 to vector<1024x128xi32>
    %shift_right_logical3A_963 = arith.shrui %add3A_956, %shift_right_logical3A_962 : vector<1024x128xi32>
    %or3A_964 = arith.ori %shift_left3A_960, %shift_right_logical3A_963 : vector<1024x128xi32>
    %xor3A_965 = arith.xori %or3A_964, %add3A_957 : vector<1024x128xi32>
    %add3A_966 = arith.addi %add3A_957, %xor3A_965 : vector<1024x128xi32>
    %shift_left3A_967 = arith.constant 15 : i32
    %shift_left3A_968 = vector.broadcast %shift_left3A_967 : i32 to vector<1024x128xi32>
    %shift_left3A_969 = arith.shli %xor3A_965, %shift_left3A_968 : vector<1024x128xi32>
    %shift_right_logical3A_970 = arith.constant 17 : i32
    %shift_right_logical3A_971 = vector.broadcast %shift_right_logical3A_970 : i32 to vector<1024x128xi32>
    %shift_right_logical3A_972 = arith.shrui %xor3A_965, %shift_right_logical3A_971 : vector<1024x128xi32>
    %or3A_973 = arith.ori %shift_left3A_969, %shift_right_logical3A_972 : vector<1024x128xi32>
    %xor3A_974 = arith.xori %or3A_973, %add3A_966 : vector<1024x128xi32>
    %add3A_975 = arith.addi %add3A_966, %xor3A_974 : vector<1024x128xi32>
    %shift_left3A_976 = arith.constant 26 : i32
    %shift_left3A_977 = vector.broadcast %shift_left3A_976 : i32 to vector<1024x128xi32>
    %shift_left3A_978 = arith.shli %xor3A_974, %shift_left3A_977 : vector<1024x128xi32>
    %shift_right_logical3A_979 = arith.constant 6 : i32
    %shift_right_logical3A_980 = vector.broadcast %shift_right_logical3A_979 : i32 to vector<1024x128xi32>
    %shift_right_logical3A_981 = arith.shrui %xor3A_974, %shift_right_logical3A_980 : vector<1024x128xi32>
    %or3A_982 = arith.ori %shift_left3A_978, %shift_right_logical3A_981 : vector<1024x128xi32>
    %xor3A_983 = arith.xori %or3A_982, %add3A_975 : vector<1024x128xi32>
    %add3A_984 = arith.addi %add3A_975, %xor3A_983 : vector<1024x128xi32>
    %shift_left3A_985 = arith.constant 6 : i32
    %shift_left3A_986 = vector.broadcast %shift_left3A_985 : i32 to vector<1024x128xi32>
    %shift_left3A_987 = arith.shli %xor3A_983, %shift_left3A_986 : vector<1024x128xi32>
    %shift_right_logical3A_988 = arith.constant 26 : i32
    %shift_right_logical3A_989 = vector.broadcast %shift_right_logical3A_988 : i32 to vector<1024x128xi32>
    %shift_right_logical3A_990 = arith.shrui %xor3A_983, %shift_right_logical3A_989 : vector<1024x128xi32>
    %or3A_991 = arith.ori %shift_left3A_987, %shift_right_logical3A_990 : vector<1024x128xi32>
    %xor3A_992 = arith.xori %or3A_991, %add3A_984 : vector<1024x128xi32>
    %add3A_993 = vector.broadcast %get3A_10 : i32 to vector<1024x128xi32>
    %add3A_994 = arith.addi %add3A_984, %add3A_993 : vector<1024x128xi32>
    %add3A_995 = vector.broadcast %xor3A_952 : i32 to vector<1024x128xi32>
    %add3A_996 = arith.addi %xor3A_992, %add3A_995 : vector<1024x128xi32>
    %add3A_997 = arith.constant 1 : i32
    %add3A_998 = vector.broadcast %add3A_997 : i32 to vector<1024x128xi32>
    %add3A_999 = arith.addi %add3A_996, %add3A_998 : vector<1024x128xi32>
    %add3A_1000 = arith.addi %add3A_994, %add3A_999 : vector<1024x128xi32>
    %shift_left3A_1001 = arith.constant 17 : i32
    %shift_left3A_1002 = vector.broadcast %shift_left3A_1001 : i32 to vector<1024x128xi32>
    %shift_left3A_1003 = arith.shli %add3A_999, %shift_left3A_1002 : vector<1024x128xi32>
    %shift_right_logical3A_1004 = arith.constant 15 : i32
    %shift_right_logical3A_1005 = vector.broadcast %shift_right_logical3A_1004 : i32 to vector<1024x128xi32>
    %shift_right_logical3A_1006 = arith.shrui %add3A_999, %shift_right_logical3A_1005 : vector<1024x128xi32>
    %or3A_1007 = arith.ori %shift_left3A_1003, %shift_right_logical3A_1006 : vector<1024x128xi32>
    %xor3A_1008 = arith.xori %or3A_1007, %add3A_1000 : vector<1024x128xi32>
    %add3A_1009 = arith.addi %add3A_1000, %xor3A_1008 : vector<1024x128xi32>
    %shift_left3A_1010 = arith.constant 29 : i32
    %shift_left3A_1011 = vector.broadcast %shift_left3A_1010 : i32 to vector<1024x128xi32>
    %shift_left3A_1012 = arith.shli %xor3A_1008, %shift_left3A_1011 : vector<1024x128xi32>
    %shift_right_logical3A_1013 = arith.constant 3 : i32
    %shift_right_logical3A_1014 = vector.broadcast %shift_right_logical3A_1013 : i32 to vector<1024x128xi32>
    %shift_right_logical3A_1015 = arith.shrui %xor3A_1008, %shift_right_logical3A_1014 : vector<1024x128xi32>
    %or3A_1016 = arith.ori %shift_left3A_1012, %shift_right_logical3A_1015 : vector<1024x128xi32>
    %xor3A_1017 = arith.xori %or3A_1016, %add3A_1009 : vector<1024x128xi32>
    %add3A_1018 = arith.addi %add3A_1009, %xor3A_1017 : vector<1024x128xi32>
    %shift_left3A_1019 = arith.constant 16 : i32
    %shift_left3A_1020 = vector.broadcast %shift_left3A_1019 : i32 to vector<1024x128xi32>
    %shift_left3A_1021 = arith.shli %xor3A_1017, %shift_left3A_1020 : vector<1024x128xi32>
    %shift_right_logical3A_1022 = arith.constant 16 : i32
    %shift_right_logical3A_1023 = vector.broadcast %shift_right_logical3A_1022 : i32 to vector<1024x128xi32>
    %shift_right_logical3A_1024 = arith.shrui %xor3A_1017, %shift_right_logical3A_1023 : vector<1024x128xi32>
    %or3A_1025 = arith.ori %shift_left3A_1021, %shift_right_logical3A_1024 : vector<1024x128xi32>
    %xor3A_1026 = arith.xori %or3A_1025, %add3A_1018 : vector<1024x128xi32>
    %add3A_1027 = arith.addi %add3A_1018, %xor3A_1026 : vector<1024x128xi32>
    %shift_left3A_1028 = arith.constant 24 : i32
    %shift_left3A_1029 = vector.broadcast %shift_left3A_1028 : i32 to vector<1024x128xi32>
    %shift_left3A_1030 = arith.shli %xor3A_1026, %shift_left3A_1029 : vector<1024x128xi32>
    %shift_right_logical3A_1031 = arith.constant 8 : i32
    %shift_right_logical3A_1032 = vector.broadcast %shift_right_logical3A_1031 : i32 to vector<1024x128xi32>
    %shift_right_logical3A_1033 = arith.shrui %xor3A_1026, %shift_right_logical3A_1032 : vector<1024x128xi32>
    %or3A_1034 = arith.ori %shift_left3A_1030, %shift_right_logical3A_1033 : vector<1024x128xi32>
    %xor3A_1035 = arith.xori %or3A_1034, %add3A_1027 : vector<1024x128xi32>
    %add3A_1036 = vector.broadcast %xor3A_952 : i32 to vector<1024x128xi32>
    %add3A_1037 = arith.addi %add3A_1027, %add3A_1036 : vector<1024x128xi32>
    %add3A_1038 = vector.broadcast %get3A_7 : i32 to vector<1024x128xi32>
    %add3A_1039 = arith.addi %xor3A_1035, %add3A_1038 : vector<1024x128xi32>
    %add3A_1040 = arith.constant 2 : i32
    %add3A_1041 = vector.broadcast %add3A_1040 : i32 to vector<1024x128xi32>
    %add3A_1042 = arith.addi %add3A_1039, %add3A_1041 : vector<1024x128xi32>
    %add3A_1043 = arith.addi %add3A_1037, %add3A_1042 : vector<1024x128xi32>
    %shift_left3A_1044 = arith.constant 13 : i32
    %shift_left3A_1045 = vector.broadcast %shift_left3A_1044 : i32 to vector<1024x128xi32>
    %shift_left3A_1046 = arith.shli %add3A_1042, %shift_left3A_1045 : vector<1024x128xi32>
    %shift_right_logical3A_1047 = arith.constant 19 : i32
    %shift_right_logical3A_1048 = vector.broadcast %shift_right_logical3A_1047 : i32 to vector<1024x128xi32>
    %shift_right_logical3A_1049 = arith.shrui %add3A_1042, %shift_right_logical3A_1048 : vector<1024x128xi32>
    %or3A_1050 = arith.ori %shift_left3A_1046, %shift_right_logical3A_1049 : vector<1024x128xi32>
    %xor3A_1051 = arith.xori %or3A_1050, %add3A_1043 : vector<1024x128xi32>
    %add3A_1052 = arith.addi %add3A_1043, %xor3A_1051 : vector<1024x128xi32>
    %shift_left3A_1053 = arith.constant 15 : i32
    %shift_left3A_1054 = vector.broadcast %shift_left3A_1053 : i32 to vector<1024x128xi32>
    %shift_left3A_1055 = arith.shli %xor3A_1051, %shift_left3A_1054 : vector<1024x128xi32>
    %shift_right_logical3A_1056 = arith.constant 17 : i32
    %shift_right_logical3A_1057 = vector.broadcast %shift_right_logical3A_1056 : i32 to vector<1024x128xi32>
    %shift_right_logical3A_1058 = arith.shrui %xor3A_1051, %shift_right_logical3A_1057 : vector<1024x128xi32>
    %or3A_1059 = arith.ori %shift_left3A_1055, %shift_right_logical3A_1058 : vector<1024x128xi32>
    %xor3A_1060 = arith.xori %or3A_1059, %add3A_1052 : vector<1024x128xi32>
    %add3A_1061 = arith.addi %add3A_1052, %xor3A_1060 : vector<1024x128xi32>
    %shift_left3A_1062 = arith.constant 26 : i32
    %shift_left3A_1063 = vector.broadcast %shift_left3A_1062 : i32 to vector<1024x128xi32>
    %shift_left3A_1064 = arith.shli %xor3A_1060, %shift_left3A_1063 : vector<1024x128xi32>
    %shift_right_logical3A_1065 = arith.constant 6 : i32
    %shift_right_logical3A_1066 = vector.broadcast %shift_right_logical3A_1065 : i32 to vector<1024x128xi32>
    %shift_right_logical3A_1067 = arith.shrui %xor3A_1060, %shift_right_logical3A_1066 : vector<1024x128xi32>
    %or3A_1068 = arith.ori %shift_left3A_1064, %shift_right_logical3A_1067 : vector<1024x128xi32>
    %xor3A_1069 = arith.xori %or3A_1068, %add3A_1061 : vector<1024x128xi32>
    %add3A_1070 = arith.addi %add3A_1061, %xor3A_1069 : vector<1024x128xi32>
    %shift_left3A_1071 = arith.constant 6 : i32
    %shift_left3A_1072 = vector.broadcast %shift_left3A_1071 : i32 to vector<1024x128xi32>
    %shift_left3A_1073 = arith.shli %xor3A_1069, %shift_left3A_1072 : vector<1024x128xi32>
    %shift_right_logical3A_1074 = arith.constant 26 : i32
    %shift_right_logical3A_1075 = vector.broadcast %shift_right_logical3A_1074 : i32 to vector<1024x128xi32>
    %shift_right_logical3A_1076 = arith.shrui %xor3A_1069, %shift_right_logical3A_1075 : vector<1024x128xi32>
    %or3A_1077 = arith.ori %shift_left3A_1073, %shift_right_logical3A_1076 : vector<1024x128xi32>
    %xor3A_1078 = arith.xori %or3A_1077, %add3A_1070 : vector<1024x128xi32>
    %add3A_1079 = vector.broadcast %get3A_7 : i32 to vector<1024x128xi32>
    %add3A_1080 = arith.addi %add3A_1070, %add3A_1079 : vector<1024x128xi32>
    %add3A_1081 = vector.broadcast %get3A_10 : i32 to vector<1024x128xi32>
    %add3A_1082 = arith.addi %xor3A_1078, %add3A_1081 : vector<1024x128xi32>
    %add3A_1083 = arith.constant 3 : i32
    %add3A_1084 = vector.broadcast %add3A_1083 : i32 to vector<1024x128xi32>
    %add3A_1085 = arith.addi %add3A_1082, %add3A_1084 : vector<1024x128xi32>
    %add3A_1086 = arith.addi %add3A_1080, %add3A_1085 : vector<1024x128xi32>
    %shift_left3A_1087 = arith.constant 17 : i32
    %shift_left3A_1088 = vector.broadcast %shift_left3A_1087 : i32 to vector<1024x128xi32>
    %shift_left3A_1089 = arith.shli %add3A_1085, %shift_left3A_1088 : vector<1024x128xi32>
    %shift_right_logical3A_1090 = arith.constant 15 : i32
    %shift_right_logical3A_1091 = vector.broadcast %shift_right_logical3A_1090 : i32 to vector<1024x128xi32>
    %shift_right_logical3A_1092 = arith.shrui %add3A_1085, %shift_right_logical3A_1091 : vector<1024x128xi32>
    %or3A_1093 = arith.ori %shift_left3A_1089, %shift_right_logical3A_1092 : vector<1024x128xi32>
    %xor3A_1094 = arith.xori %or3A_1093, %add3A_1086 : vector<1024x128xi32>
    %add3A_1095 = arith.addi %add3A_1086, %xor3A_1094 : vector<1024x128xi32>
    %shift_left3A_1096 = arith.constant 29 : i32
    %shift_left3A_1097 = vector.broadcast %shift_left3A_1096 : i32 to vector<1024x128xi32>
    %shift_left3A_1098 = arith.shli %xor3A_1094, %shift_left3A_1097 : vector<1024x128xi32>
    %shift_right_logical3A_1099 = arith.constant 3 : i32
    %shift_right_logical3A_1100 = vector.broadcast %shift_right_logical3A_1099 : i32 to vector<1024x128xi32>
    %shift_right_logical3A_1101 = arith.shrui %xor3A_1094, %shift_right_logical3A_1100 : vector<1024x128xi32>
    %or3A_1102 = arith.ori %shift_left3A_1098, %shift_right_logical3A_1101 : vector<1024x128xi32>
    %xor3A_1103 = arith.xori %or3A_1102, %add3A_1095 : vector<1024x128xi32>
    %add3A_1104 = arith.addi %add3A_1095, %xor3A_1103 : vector<1024x128xi32>
    %shift_left3A_1105 = arith.constant 16 : i32
    %shift_left3A_1106 = vector.broadcast %shift_left3A_1105 : i32 to vector<1024x128xi32>
    %shift_left3A_1107 = arith.shli %xor3A_1103, %shift_left3A_1106 : vector<1024x128xi32>
    %shift_right_logical3A_1108 = arith.constant 16 : i32
    %shift_right_logical3A_1109 = vector.broadcast %shift_right_logical3A_1108 : i32 to vector<1024x128xi32>
    %shift_right_logical3A_1110 = arith.shrui %xor3A_1103, %shift_right_logical3A_1109 : vector<1024x128xi32>
    %or3A_1111 = arith.ori %shift_left3A_1107, %shift_right_logical3A_1110 : vector<1024x128xi32>
    %xor3A_1112 = arith.xori %or3A_1111, %add3A_1104 : vector<1024x128xi32>
    %add3A_1113 = arith.addi %add3A_1104, %xor3A_1112 : vector<1024x128xi32>
    %shift_left3A_1114 = arith.constant 24 : i32
    %shift_left3A_1115 = vector.broadcast %shift_left3A_1114 : i32 to vector<1024x128xi32>
    %shift_left3A_1116 = arith.shli %xor3A_1112, %shift_left3A_1115 : vector<1024x128xi32>
    %shift_right_logical3A_1117 = arith.constant 8 : i32
    %shift_right_logical3A_1118 = vector.broadcast %shift_right_logical3A_1117 : i32 to vector<1024x128xi32>
    %shift_right_logical3A_1119 = arith.shrui %xor3A_1112, %shift_right_logical3A_1118 : vector<1024x128xi32>
    %or3A_1120 = arith.ori %shift_left3A_1116, %shift_right_logical3A_1119 : vector<1024x128xi32>
    %xor3A_1121 = arith.xori %or3A_1120, %add3A_1113 : vector<1024x128xi32>
    %add3A_1122 = vector.broadcast %get3A_10 : i32 to vector<1024x128xi32>
    %add3A_1123 = arith.addi %add3A_1113, %add3A_1122 : vector<1024x128xi32>
    %add3A_1124 = vector.broadcast %xor3A_952 : i32 to vector<1024x128xi32>
    %add3A_1125 = arith.addi %xor3A_1121, %add3A_1124 : vector<1024x128xi32>
    %add3A_1126 = arith.constant 4 : i32
    %add3A_1127 = vector.broadcast %add3A_1126 : i32 to vector<1024x128xi32>
    %add3A_1128 = arith.addi %add3A_1125, %add3A_1127 : vector<1024x128xi32>
    %add3A_1129 = arith.addi %add3A_1123, %add3A_1128 : vector<1024x128xi32>
    %shift_left3A_1130 = arith.constant 13 : i32
    %shift_left3A_1131 = vector.broadcast %shift_left3A_1130 : i32 to vector<1024x128xi32>
    %shift_left3A_1132 = arith.shli %add3A_1128, %shift_left3A_1131 : vector<1024x128xi32>
    %shift_right_logical3A_1133 = arith.constant 19 : i32
    %shift_right_logical3A_1134 = vector.broadcast %shift_right_logical3A_1133 : i32 to vector<1024x128xi32>
    %shift_right_logical3A_1135 = arith.shrui %add3A_1128, %shift_right_logical3A_1134 : vector<1024x128xi32>
    %or3A_1136 = arith.ori %shift_left3A_1132, %shift_right_logical3A_1135 : vector<1024x128xi32>
    %xor3A_1137 = arith.xori %or3A_1136, %add3A_1129 : vector<1024x128xi32>
    %add3A_1138 = arith.addi %add3A_1129, %xor3A_1137 : vector<1024x128xi32>
    %shift_left3A_1139 = arith.constant 15 : i32
    %shift_left3A_1140 = vector.broadcast %shift_left3A_1139 : i32 to vector<1024x128xi32>
    %shift_left3A_1141 = arith.shli %xor3A_1137, %shift_left3A_1140 : vector<1024x128xi32>
    %shift_right_logical3A_1142 = arith.constant 17 : i32
    %shift_right_logical3A_1143 = vector.broadcast %shift_right_logical3A_1142 : i32 to vector<1024x128xi32>
    %shift_right_logical3A_1144 = arith.shrui %xor3A_1137, %shift_right_logical3A_1143 : vector<1024x128xi32>
    %or3A_1145 = arith.ori %shift_left3A_1141, %shift_right_logical3A_1144 : vector<1024x128xi32>
    %xor3A_1146 = arith.xori %or3A_1145, %add3A_1138 : vector<1024x128xi32>
    %add3A_1147 = arith.addi %add3A_1138, %xor3A_1146 : vector<1024x128xi32>
    %shift_left3A_1148 = arith.constant 26 : i32
    %shift_left3A_1149 = vector.broadcast %shift_left3A_1148 : i32 to vector<1024x128xi32>
    %shift_left3A_1150 = arith.shli %xor3A_1146, %shift_left3A_1149 : vector<1024x128xi32>
    %shift_right_logical3A_1151 = arith.constant 6 : i32
    %shift_right_logical3A_1152 = vector.broadcast %shift_right_logical3A_1151 : i32 to vector<1024x128xi32>
    %shift_right_logical3A_1153 = arith.shrui %xor3A_1146, %shift_right_logical3A_1152 : vector<1024x128xi32>
    %or3A_1154 = arith.ori %shift_left3A_1150, %shift_right_logical3A_1153 : vector<1024x128xi32>
    %xor3A_1155 = arith.xori %or3A_1154, %add3A_1147 : vector<1024x128xi32>
    %add3A_1156 = arith.addi %add3A_1147, %xor3A_1155 : vector<1024x128xi32>
    %shift_left3A_1157 = arith.constant 6 : i32
    %shift_left3A_1158 = vector.broadcast %shift_left3A_1157 : i32 to vector<1024x128xi32>
    %shift_left3A_1159 = arith.shli %xor3A_1155, %shift_left3A_1158 : vector<1024x128xi32>
    %shift_right_logical3A_1160 = arith.constant 26 : i32
    %shift_right_logical3A_1161 = vector.broadcast %shift_right_logical3A_1160 : i32 to vector<1024x128xi32>
    %shift_right_logical3A_1162 = arith.shrui %xor3A_1155, %shift_right_logical3A_1161 : vector<1024x128xi32>
    %or3A_1163 = arith.ori %shift_left3A_1159, %shift_right_logical3A_1162 : vector<1024x128xi32>
    %xor3A_1164 = arith.xori %or3A_1163, %add3A_1156 : vector<1024x128xi32>
    %add3A_1165 = vector.broadcast %xor3A_952 : i32 to vector<1024x128xi32>
    %add3A_1166 = arith.addi %add3A_1156, %add3A_1165 : vector<1024x128xi32>
    %add3A_1167 = vector.broadcast %get3A_7 : i32 to vector<1024x128xi32>
    %add3A_1168 = arith.addi %xor3A_1164, %add3A_1167 : vector<1024x128xi32>
    %add3A_1169 = arith.constant 5 : i32
    %add3A_1170 = vector.broadcast %add3A_1169 : i32 to vector<1024x128xi32>
    %add3A_1171 = arith.addi %add3A_1168, %add3A_1170 : vector<1024x128xi32>
    %xor3A_1172 = arith.xori %add3A_1166, %add3A_1171 : vector<1024x128xi32>
    %shift_right_logical3A_1173 = arith.constant 9 : i32
    %shift_right_logical3A_1174 = vector.broadcast %shift_right_logical3A_1173 : i32 to vector<1024x128xi32>
    %shift_right_logical3A_1175 = arith.shrui %xor3A_1172, %shift_right_logical3A_1174 : vector<1024x128xi32>
    %or3A_1176 = arith.constant 1065353216 : i32
    %or3A_1177 = vector.broadcast %or3A_1176 : i32 to vector<1024x128xi32>
    %or3A_1178 = arith.ori %shift_right_logical3A_1175, %or3A_1177 : vector<1024x128xi32>
    %bitcast3A_1179 = tpu.bitcast %or3A_1178 : vector<1024x128xi32> -> vector<1024x128xf32>
    %sub3A_1180 = arith.constant 1.000000e+00 : f32
    %sub3A_1181 = vector.broadcast %sub3A_1180 : f32 to vector<1024x128xf32>
    %sub3A_1182 = arith.subf %bitcast3A_1179, %sub3A_1181 : vector<1024x128xf32>
    %sub3A_1183 = arith.constant 1.000000e+00 : f32
    %sub3A_1184 = arith.constant 1.17549435E-38 : f32
    %sub3A_1185 = arith.subf %sub3A_1183, %sub3A_1184 : f32
    %mul3A_1186 = vector.broadcast %sub3A_1185 : f32 to vector<1024x128xf32>
    %mul3A_1187 = arith.mulf %sub3A_1182, %mul3A_1186 : vector<1024x128xf32>
    %add3A_1188 = arith.constant 1.17549435E-38 : f32
    %add3A_1189 = vector.broadcast %add3A_1188 : f32 to vector<1024x128xf32>
    %add3A_1190 = arith.addf %mul3A_1187, %add3A_1189 : vector<1024x128xf32>
    %max3A_1191 = arith.constant 1.17549435E-38 : f32
    %max3A_1192 = vector.broadcast %max3A_1191 : f32 to vector<1024x128xf32>
    %max3A_1193 = arith.maximumf %max3A_1192, %add3A_1190 : vector<1024x128xf32>
    %log3A = math.log %max3A_1193 : vector<1024x128xf32>
    %neg3A = arith.constant 0.000000e+00 : f32
    %neg3A_1194 = vector.broadcast %neg3A : f32 to vector<1024x128xf32>
    %neg3A_1195 = arith.subf %neg3A_1194, %log3A : vector<1024x128xf32>
    %log3A_1196 = math.log %neg3A_1195 : vector<1024x128xf32>
    %neg3A_1197 = arith.constant 0.000000e+00 : f32
    %neg3A_1198 = vector.broadcast %neg3A_1197 : f32 to vector<1024x128xf32>
    %neg3A_1199 = arith.subf %neg3A_1198, %log3A_1196 : vector<1024x128xf32>
    %div3A_1200 = vector.broadcast %reduce_sum3A_949 : f32 to vector<1024x128xf32>
    %div3A_1201 = arith.divf %bitcast3A_777, %div3A_1200 : vector<1024x128xf32>
    %log3A_1202 = math.log %div3A_1201 : vector<1024x128xf32>
    %jit3A_1203 = arith.constant 0xFF800000 : f32
    %broadcast_in_dim3A_1204 = vector.broadcast %jit3A_1203 : f32 to vector<1024x128xf32>
    %select_n3A_1205 = arith.select %le3A_941, %log3A_1202, %broadcast_in_dim3A_1204 : vector<1024x128xi1>, vector<1024x128xf32>
    %add3A_1206 = arith.addf %select_n3A_1205, %neg3A_1199 : vector<1024x128xf32>
    %reduce_max3A_1207 = vector.shape_cast %add3A_1206 : vector<1024x128xf32> to vector<1x1024x128xf32>
    %reduce_max3A_1208 = arith.constant dense<0xFF800000> : vector<1xf32>
    %reduce_max3A_1209 = vector.multi_reduction <maximumf>, %reduce_max3A_1207, %reduce_max3A_1208 [1, 2] : vector<1x1024x128xf32> to vector<1xf32>
    %reduce_max3A_1210 = vector.shape_cast %reduce_max3A_1209 : vector<1xf32> to vector<1x1x1xf32>
    %reduce_max3A_1211 = vector.extract %reduce_max3A_1210[0, 0, 0] : f32 from vector<1x1x1xf32>
    %eq3A_1212 = vector.broadcast %reduce_max3A_1211 : f32 to vector<1024x128xf32>
    %eq3A_1213 = arith.cmpf oeq, %add3A_1206, %eq3A_1212 : vector<1024x128xf32>
    %jit3A_1214 = arith.constant 1073741824 : i32
    %broadcast_in_dim3A_1215 = vector.broadcast %jit3A_1214 : i32 to vector<1024x128xi32>
    %select_n3A_1216 = arith.select %eq3A_1213, %add3A, %broadcast_in_dim3A_1215 : vector<1024x128xi1>, vector<1024x128xi32>
    %reduce_min3A = vector.shape_cast %select_n3A_1216 : vector<1024x128xi32> to vector<1x1024x128xi32>
    %reduce_min3A_1217 = arith.constant dense<2147483647> : vector<1xi32>
    %reduce_min3A_1218 = vector.multi_reduction <minsi>, %reduce_min3A, %reduce_min3A_1217 [1, 2] : vector<1x1024x128xi32> to vector<1xi32>
    %reduce_min3A_1219 = vector.shape_cast %reduce_min3A_1218 : vector<1xi32> to vector<1x1x1xi32>
    %reduce_min3A_1220 = vector.extract %reduce_min3A_1219[0, 0, 0] : i32 from vector<1x1x1xi32>
    %eq3A_1221 = vector.broadcast %reduce_min3A_1220 : i32 to vector<1024x128xi32>
    %eq3A_1222 = arith.cmpi eq, %add3A, %eq3A_1221 : vector<1024x128xi32>
    %get3A_1223 = arith.constant 0 : index
    %get3A_1224 = arith.constant 0 : index
    %get3A_1225 = vector.load %arg4[%get3A_1223, %get3A_1224] : memref<1024x128xi32, #tpu.memory_space<vmem>>, vector<1024x128xi32>
    %jit3A_1226 = arith.constant 0 : i32
    %broadcast_in_dim3A_1227 = vector.broadcast %jit3A_1226 : i32 to vector<1024x128xi32>
    %select_n3A_1228 = arith.select %eq3A_1222, %get3A_1225, %broadcast_in_dim3A_1227 : vector<1024x128xi1>, vector<1024x128xi32>
    %reduce_sum3A_1229 = vector.shape_cast %select_n3A_1228 : vector<1024x128xi32> to vector<1x1024x128xi32>
    %reduce_sum3A_1230 = arith.constant dense<0> : vector<1xi32>
    %reduce_sum3A_1231 = vector.multi_reduction <add>, %reduce_sum3A_1229, %reduce_sum3A_1230 [1, 2] : vector<1x1024x128xi32> to vector<1xi32>
    %reduce_sum3A_1232 = vector.shape_cast %reduce_sum3A_1231 : vector<1xi32> to vector<1x1x1xi32>
    %reduce_sum3A_1233 = vector.extract %reduce_sum3A_1232[0, 0, 0] : i32 from vector<1x1x1xi32>
    %gt3A = vector.broadcast %reduce_sum3A_1233 : i32 to vector<1024x128xi32>
    %gt3A_1234 = arith.cmpi sgt, %bitcast3A, %gt3A : vector<1024x128xi32>
    %convert_element_type3A_1235 = arith.extui %gt3A_1234 : vector<1024x128xi1> to vector<1024x128xi32>
    %reduce_sum3A_1236 = vector.shape_cast %convert_element_type3A_1235 : vector<1024x128xi32> to vector<1x1024x128xi32>
    %reduce_sum3A_1237 = arith.constant dense<0> : vector<1xi32>
    %reduce_sum3A_1238 = vector.multi_reduction <add>, %reduce_sum3A_1236, %reduce_sum3A_1237 [1, 2] : vector<1x1024x128xi32> to vector<1xi32>
    %reduce_sum3A_1239 = vector.shape_cast %reduce_sum3A_1238 : vector<1xi32> to vector<1x1x1xi32>
    %reduce_sum3A_1240 = vector.extract %reduce_sum3A_1239[0, 0, 0] : i32 from vector<1x1x1xi32>
    %sub3A_1241 = arith.subi %reduce_min3A_1220, %reduce_sum3A_1240 : i32
    %convert_element_type3A_1242 = arith.sitofp %sub3A_1241 : i32 to f32
    %eq3A_1243 = vector.broadcast %reduce_sum3A_1233 : i32 to vector<1024x128xi32>
    %eq3A_1244 = arith.cmpi eq, %bitcast3A, %eq3A_1243 : vector<1024x128xi32>
    %convert_element_type3A_1245 = arith.extui %eq3A_1244 : vector<1024x128xi1> to vector<1024x128xi32>
    %convert_element_type3A_1246 = arith.sitofp %convert_element_type3A_1245 : vector<1024x128xi32> to vector<1024x128xf32>
    %ge3A_1247 = arith.constant 1 : i32
    %ge3A_1248 = vector.broadcast %ge3A_1247 : i32 to vector<1024x128xi32>
    %ge3A_1249 = arith.cmpi sge, %iota3A_11, %ge3A_1248 : vector<1024x128xi32>
    %roll3A_1250 = arith.constant 1 : i32
    %roll3A_1251 = tpu.dynamic_rotate %convert_element_type3A_1246 by %roll3A_1250 dim 1 : vector<1024x128xf32>, i32 -> vector<1024x128xf32>
    %jit3A_1252 = arith.constant 0.000000e+00 : f32
    %broadcast_in_dim3A_1253 = vector.broadcast %jit3A_1252 : f32 to vector<1024x128xf32>
    %select_n3A_1254 = arith.select %ge3A_1249, %roll3A_1251, %broadcast_in_dim3A_1253 : vector<1024x128xi1>, vector<1024x128xf32>
    %add3A_1255 = arith.addf %convert_element_type3A_1246, %select_n3A_1254 : vector<1024x128xf32>
    %ge3A_1256 = arith.constant 2 : i32
    %ge3A_1257 = vector.broadcast %ge3A_1256 : i32 to vector<1024x128xi32>
    %ge3A_1258 = arith.cmpi sge, %iota3A_11, %ge3A_1257 : vector<1024x128xi32>
    %roll3A_1259 = arith.constant 2 : i32
    %roll3A_1260 = tpu.dynamic_rotate %add3A_1255 by %roll3A_1259 dim 1 : vector<1024x128xf32>, i32 -> vector<1024x128xf32>
    %jit3A_1261 = arith.constant 0.000000e+00 : f32
    %broadcast_in_dim3A_1262 = vector.broadcast %jit3A_1261 : f32 to vector<1024x128xf32>
    %select_n3A_1263 = arith.select %ge3A_1258, %roll3A_1260, %broadcast_in_dim3A_1262 : vector<1024x128xi1>, vector<1024x128xf32>
    %add3A_1264 = arith.addf %add3A_1255, %select_n3A_1263 : vector<1024x128xf32>
    %ge3A_1265 = arith.constant 4 : i32
    %ge3A_1266 = vector.broadcast %ge3A_1265 : i32 to vector<1024x128xi32>
    %ge3A_1267 = arith.cmpi sge, %iota3A_11, %ge3A_1266 : vector<1024x128xi32>
    %roll3A_1268 = arith.constant 4 : i32
    %roll3A_1269 = tpu.dynamic_rotate %add3A_1264 by %roll3A_1268 dim 1 : vector<1024x128xf32>, i32 -> vector<1024x128xf32>
    %jit3A_1270 = arith.constant 0.000000e+00 : f32
    %broadcast_in_dim3A_1271 = vector.broadcast %jit3A_1270 : f32 to vector<1024x128xf32>
    %select_n3A_1272 = arith.select %ge3A_1267, %roll3A_1269, %broadcast_in_dim3A_1271 : vector<1024x128xi1>, vector<1024x128xf32>
    %add3A_1273 = arith.addf %add3A_1264, %select_n3A_1272 : vector<1024x128xf32>
    %ge3A_1274 = arith.constant 8 : i32
    %ge3A_1275 = vector.broadcast %ge3A_1274 : i32 to vector<1024x128xi32>
    %ge3A_1276 = arith.cmpi sge, %iota3A_11, %ge3A_1275 : vector<1024x128xi32>
    %roll3A_1277 = arith.constant 8 : i32
    %roll3A_1278 = tpu.dynamic_rotate %add3A_1273 by %roll3A_1277 dim 1 : vector<1024x128xf32>, i32 -> vector<1024x128xf32>
    %jit3A_1279 = arith.constant 0.000000e+00 : f32
    %broadcast_in_dim3A_1280 = vector.broadcast %jit3A_1279 : f32 to vector<1024x128xf32>
    %select_n3A_1281 = arith.select %ge3A_1276, %roll3A_1278, %broadcast_in_dim3A_1280 : vector<1024x128xi1>, vector<1024x128xf32>
    %add3A_1282 = arith.addf %add3A_1273, %select_n3A_1281 : vector<1024x128xf32>
    %ge3A_1283 = arith.constant 16 : i32
    %ge3A_1284 = vector.broadcast %ge3A_1283 : i32 to vector<1024x128xi32>
    %ge3A_1285 = arith.cmpi sge, %iota3A_11, %ge3A_1284 : vector<1024x128xi32>
    %roll3A_1286 = arith.constant 16 : i32
    %roll3A_1287 = tpu.dynamic_rotate %add3A_1282 by %roll3A_1286 dim 1 : vector<1024x128xf32>, i32 -> vector<1024x128xf32>
    %jit3A_1288 = arith.constant 0.000000e+00 : f32
    %broadcast_in_dim3A_1289 = vector.broadcast %jit3A_1288 : f32 to vector<1024x128xf32>
    %select_n3A_1290 = arith.select %ge3A_1285, %roll3A_1287, %broadcast_in_dim3A_1289 : vector<1024x128xi1>, vector<1024x128xf32>
    %add3A_1291 = arith.addf %add3A_1282, %select_n3A_1290 : vector<1024x128xf32>
    %ge3A_1292 = arith.constant 32 : i32
    %ge3A_1293 = vector.broadcast %ge3A_1292 : i32 to vector<1024x128xi32>
    %ge3A_1294 = arith.cmpi sge, %iota3A_11, %ge3A_1293 : vector<1024x128xi32>
    %roll3A_1295 = arith.constant 32 : i32
    %roll3A_1296 = tpu.dynamic_rotate %add3A_1291 by %roll3A_1295 dim 1 : vector<1024x128xf32>, i32 -> vector<1024x128xf32>
    %jit3A_1297 = arith.constant 0.000000e+00 : f32
    %broadcast_in_dim3A_1298 = vector.broadcast %jit3A_1297 : f32 to vector<1024x128xf32>
    %select_n3A_1299 = arith.select %ge3A_1294, %roll3A_1296, %broadcast_in_dim3A_1298 : vector<1024x128xi1>, vector<1024x128xf32>
    %add3A_1300 = arith.addf %add3A_1291, %select_n3A_1299 : vector<1024x128xf32>
    %ge3A_1301 = arith.constant 64 : i32
    %ge3A_1302 = vector.broadcast %ge3A_1301 : i32 to vector<1024x128xi32>
    %ge3A_1303 = arith.cmpi sge, %iota3A_11, %ge3A_1302 : vector<1024x128xi32>
    %roll3A_1304 = arith.constant 64 : i32
    %roll3A_1305 = tpu.dynamic_rotate %add3A_1300 by %roll3A_1304 dim 1 : vector<1024x128xf32>, i32 -> vector<1024x128xf32>
    %jit3A_1306 = arith.constant 0.000000e+00 : f32
    %broadcast_in_dim3A_1307 = vector.broadcast %jit3A_1306 : f32 to vector<1024x128xf32>
    %select_n3A_1308 = arith.select %ge3A_1303, %roll3A_1305, %broadcast_in_dim3A_1307 : vector<1024x128xi1>, vector<1024x128xf32>
    %add3A_1309 = arith.addf %add3A_1300, %select_n3A_1308 : vector<1024x128xf32>
    %slice3A_1310 = vector.extract_strided_slice %add3A_1309 {offsets = [0, 127], sizes = [1024, 1], strides = [1, 1]} : vector<1024x128xf32> to vector<1024x1xf32>
    %ge3A_1311 = arith.constant 1 : i32
    %ge3A_1312 = vector.broadcast %ge3A_1311 : i32 to vector<1024x1xi32>
    %ge3A_1313 = arith.cmpi sge, %iota3A_839, %ge3A_1312 : vector<1024x1xi32>
    %roll3A_1314 = arith.constant 1 : i32
    %roll3A_1315 = tpu.dynamic_rotate %slice3A_1310 by %roll3A_1314 dim 0 : vector<1024x1xf32>, i32 -> vector<1024x1xf32>
    %jit3A_1316 = arith.constant 0.000000e+00 : f32
    %broadcast_in_dim3A_1317 = vector.broadcast %jit3A_1316 : f32 to vector<1024x1xf32>
    %select_n3A_1318 = arith.select %ge3A_1313, %roll3A_1315, %broadcast_in_dim3A_1317 : vector<1024x1xi1>, vector<1024x1xf32>
    %add3A_1319 = arith.addf %slice3A_1310, %select_n3A_1318 : vector<1024x1xf32>
    %ge3A_1320 = arith.constant 2 : i32
    %ge3A_1321 = vector.broadcast %ge3A_1320 : i32 to vector<1024x1xi32>
    %ge3A_1322 = arith.cmpi sge, %iota3A_839, %ge3A_1321 : vector<1024x1xi32>
    %roll3A_1323 = arith.constant 2 : i32
    %roll3A_1324 = tpu.dynamic_rotate %add3A_1319 by %roll3A_1323 dim 0 : vector<1024x1xf32>, i32 -> vector<1024x1xf32>
    %jit3A_1325 = arith.constant 0.000000e+00 : f32
    %broadcast_in_dim3A_1326 = vector.broadcast %jit3A_1325 : f32 to vector<1024x1xf32>
    %select_n3A_1327 = arith.select %ge3A_1322, %roll3A_1324, %broadcast_in_dim3A_1326 : vector<1024x1xi1>, vector<1024x1xf32>
    %add3A_1328 = arith.addf %add3A_1319, %select_n3A_1327 : vector<1024x1xf32>
    %ge3A_1329 = arith.constant 4 : i32
    %ge3A_1330 = vector.broadcast %ge3A_1329 : i32 to vector<1024x1xi32>
    %ge3A_1331 = arith.cmpi sge, %iota3A_839, %ge3A_1330 : vector<1024x1xi32>
    %roll3A_1332 = arith.constant 4 : i32
    %roll3A_1333 = tpu.dynamic_rotate %add3A_1328 by %roll3A_1332 dim 0 : vector<1024x1xf32>, i32 -> vector<1024x1xf32>
    %jit3A_1334 = arith.constant 0.000000e+00 : f32
    %broadcast_in_dim3A_1335 = vector.broadcast %jit3A_1334 : f32 to vector<1024x1xf32>
    %select_n3A_1336 = arith.select %ge3A_1331, %roll3A_1333, %broadcast_in_dim3A_1335 : vector<1024x1xi1>, vector<1024x1xf32>
    %add3A_1337 = arith.addf %add3A_1328, %select_n3A_1336 : vector<1024x1xf32>
    %ge3A_1338 = arith.constant 8 : i32
    %ge3A_1339 = vector.broadcast %ge3A_1338 : i32 to vector<1024x1xi32>
    %ge3A_1340 = arith.cmpi sge, %iota3A_839, %ge3A_1339 : vector<1024x1xi32>
    %roll3A_1341 = arith.constant 8 : i32
    %roll3A_1342 = tpu.dynamic_rotate %add3A_1337 by %roll3A_1341 dim 0 : vector<1024x1xf32>, i32 -> vector<1024x1xf32>
    %jit3A_1343 = arith.constant 0.000000e+00 : f32
    %broadcast_in_dim3A_1344 = vector.broadcast %jit3A_1343 : f32 to vector<1024x1xf32>
    %select_n3A_1345 = arith.select %ge3A_1340, %roll3A_1342, %broadcast_in_dim3A_1344 : vector<1024x1xi1>, vector<1024x1xf32>
    %add3A_1346 = arith.addf %add3A_1337, %select_n3A_1345 : vector<1024x1xf32>
    %ge3A_1347 = arith.constant 16 : i32
    %ge3A_1348 = vector.broadcast %ge3A_1347 : i32 to vector<1024x1xi32>
    %ge3A_1349 = arith.cmpi sge, %iota3A_839, %ge3A_1348 : vector<1024x1xi32>
    %roll3A_1350 = arith.constant 16 : i32
    %roll3A_1351 = tpu.dynamic_rotate %add3A_1346 by %roll3A_1350 dim 0 : vector<1024x1xf32>, i32 -> vector<1024x1xf32>
    %jit3A_1352 = arith.constant 0.000000e+00 : f32
    %broadcast_in_dim3A_1353 = vector.broadcast %jit3A_1352 : f32 to vector<1024x1xf32>
    %select_n3A_1354 = arith.select %ge3A_1349, %roll3A_1351, %broadcast_in_dim3A_1353 : vector<1024x1xi1>, vector<1024x1xf32>
    %add3A_1355 = arith.addf %add3A_1346, %select_n3A_1354 : vector<1024x1xf32>
    %ge3A_1356 = arith.constant 32 : i32
    %ge3A_1357 = vector.broadcast %ge3A_1356 : i32 to vector<1024x1xi32>
    %ge3A_1358 = arith.cmpi sge, %iota3A_839, %ge3A_1357 : vector<1024x1xi32>
    %roll3A_1359 = arith.constant 32 : i32
    %roll3A_1360 = tpu.dynamic_rotate %add3A_1355 by %roll3A_1359 dim 0 : vector<1024x1xf32>, i32 -> vector<1024x1xf32>
    %jit3A_1361 = arith.constant 0.000000e+00 : f32
    %broadcast_in_dim3A_1362 = vector.broadcast %jit3A_1361 : f32 to vector<1024x1xf32>
    %select_n3A_1363 = arith.select %ge3A_1358, %roll3A_1360, %broadcast_in_dim3A_1362 : vector<1024x1xi1>, vector<1024x1xf32>
    %add3A_1364 = arith.addf %add3A_1355, %select_n3A_1363 : vector<1024x1xf32>
    %ge3A_1365 = arith.constant 64 : i32
    %ge3A_1366 = vector.broadcast %ge3A_1365 : i32 to vector<1024x1xi32>
    %ge3A_1367 = arith.cmpi sge, %iota3A_839, %ge3A_1366 : vector<1024x1xi32>
    %roll3A_1368 = arith.constant 64 : i32
    %roll3A_1369 = tpu.dynamic_rotate %add3A_1364 by %roll3A_1368 dim 0 : vector<1024x1xf32>, i32 -> vector<1024x1xf32>
    %jit3A_1370 = arith.constant 0.000000e+00 : f32
    %broadcast_in_dim3A_1371 = vector.broadcast %jit3A_1370 : f32 to vector<1024x1xf32>
    %select_n3A_1372 = arith.select %ge3A_1367, %roll3A_1369, %broadcast_in_dim3A_1371 : vector<1024x1xi1>, vector<1024x1xf32>
    %add3A_1373 = arith.addf %add3A_1364, %select_n3A_1372 : vector<1024x1xf32>
    %ge3A_1374 = arith.constant 128 : i32
    %ge3A_1375 = vector.broadcast %ge3A_1374 : i32 to vector<1024x1xi32>
    %ge3A_1376 = arith.cmpi sge, %iota3A_839, %ge3A_1375 : vector<1024x1xi32>
    %roll3A_1377 = arith.constant 128 : i32
    %roll3A_1378 = tpu.dynamic_rotate %add3A_1373 by %roll3A_1377 dim 0 : vector<1024x1xf32>, i32 -> vector<1024x1xf32>
    %jit3A_1379 = arith.constant 0.000000e+00 : f32
    %broadcast_in_dim3A_1380 = vector.broadcast %jit3A_1379 : f32 to vector<1024x1xf32>
    %select_n3A_1381 = arith.select %ge3A_1376, %roll3A_1378, %broadcast_in_dim3A_1380 : vector<1024x1xi1>, vector<1024x1xf32>
    %add3A_1382 = arith.addf %add3A_1373, %select_n3A_1381 : vector<1024x1xf32>
    %ge3A_1383 = arith.constant 256 : i32
    %ge3A_1384 = vector.broadcast %ge3A_1383 : i32 to vector<1024x1xi32>
    %ge3A_1385 = arith.cmpi sge, %iota3A_839, %ge3A_1384 : vector<1024x1xi32>
    %roll3A_1386 = arith.constant 256 : i32
    %roll3A_1387 = tpu.dynamic_rotate %add3A_1382 by %roll3A_1386 dim 0 : vector<1024x1xf32>, i32 -> vector<1024x1xf32>
    %jit3A_1388 = arith.constant 0.000000e+00 : f32
    %broadcast_in_dim3A_1389 = vector.broadcast %jit3A_1388 : f32 to vector<1024x1xf32>
    %select_n3A_1390 = arith.select %ge3A_1385, %roll3A_1387, %broadcast_in_dim3A_1389 : vector<1024x1xi1>, vector<1024x1xf32>
    %add3A_1391 = arith.addf %add3A_1382, %select_n3A_1390 : vector<1024x1xf32>
    %ge3A_1392 = arith.constant 512 : i32
    %ge3A_1393 = vector.broadcast %ge3A_1392 : i32 to vector<1024x1xi32>
    %ge3A_1394 = arith.cmpi sge, %iota3A_839, %ge3A_1393 : vector<1024x1xi32>
    %roll3A_1395 = arith.constant 512 : i32
    %roll3A_1396 = tpu.dynamic_rotate %add3A_1391 by %roll3A_1395 dim 0 : vector<1024x1xf32>, i32 -> vector<1024x1xf32>
    %jit3A_1397 = arith.constant 0.000000e+00 : f32
    %broadcast_in_dim3A_1398 = vector.broadcast %jit3A_1397 : f32 to vector<1024x1xf32>
    %select_n3A_1399 = arith.select %ge3A_1394, %roll3A_1396, %broadcast_in_dim3A_1398 : vector<1024x1xi1>, vector<1024x1xf32>
    %add3A_1400 = arith.addf %add3A_1391, %select_n3A_1399 : vector<1024x1xf32>
    %sub3A_1401 = arith.subf %add3A_1400, %slice3A_1310 : vector<1024x1xf32>
    %add3A_1402 = vector.broadcast %sub3A_1401 : vector<1024x1xf32> to vector<1024x128xf32>
    %add3A_1403 = arith.addf %add3A_1309, %add3A_1402 : vector<1024x128xf32>
    %sub3A_1404 = arith.subf %add3A_1403, %convert_element_type3A_1246 : vector<1024x128xf32>
    %gt3A_1405 = arith.constant 0.000000e+00 : f32
    %gt3A_1406 = vector.broadcast %gt3A_1405 : f32 to vector<1024x128xf32>
    %gt3A_1407 = arith.cmpf ogt, %convert_element_type3A_1246, %gt3A_1406 : vector<1024x128xf32>
    %eq3A_1408 = vector.broadcast %convert_element_type3A_1242 : f32 to vector<1024x128xf32>
    %eq3A_1409 = arith.cmpf oeq, %sub3A_1404, %eq3A_1408 : vector<1024x128xf32>
    %and3A_1410 = arith.andi %gt3A_1407, %eq3A_1409 : vector<1024x128xi1>
    %jit3A_1411 = arith.constant 0 : i32
    %broadcast_in_dim3A_1412 = vector.broadcast %jit3A_1411 : i32 to vector<1024x128xi32>
    %select_n3A_1413 = arith.select %and3A_1410, %add3A, %broadcast_in_dim3A_1412 : vector<1024x128xi1>, vector<1024x128xi32>
    %reduce_sum3A_1414 = vector.shape_cast %select_n3A_1413 : vector<1024x128xi32> to vector<1x1024x128xi32>
    %reduce_sum3A_1415 = arith.constant dense<0> : vector<1xi32>
    %reduce_sum3A_1416 = vector.multi_reduction <add>, %reduce_sum3A_1414, %reduce_sum3A_1415 [1, 2] : vector<1x1024x128xi32> to vector<1xi32>
    %reduce_sum3A_1417 = vector.shape_cast %reduce_sum3A_1416 : vector<1xi32> to vector<1x1x1xi32>
    %reduce_sum3A_1418 = vector.extract %reduce_sum3A_1417[0, 0, 0] : i32 from vector<1x1x1xi32>
    %eq3A_1419 = vector.broadcast %reduce_sum3A_1418 : i32 to vector<1024x128xi32>
    %eq3A_1420 = arith.cmpi eq, %add3A, %eq3A_1419 : vector<1024x128xi32>
    %jit3A_1421 = arith.constant 1.000000e+05 : f32
    %jit3A_1422 = arith.constant 9.99999974E-6 : f32
    %broadcast_in_dim3A_1423 = vector.broadcast %jit3A_1421 : f32 to vector<1024x128xf32>
    %broadcast_in_dim3A_1424 = vector.broadcast %jit3A_1422 : f32 to vector<1024x128xf32>
    %select_n3A_1425 = arith.select %eq3A_1420, %broadcast_in_dim3A_1423, %broadcast_in_dim3A_1424 : vector<1024x128xi1>, vector<1024x128xf32>
    %swap3A_1426 = arith.constant 0 : index
    %swap3A_1427 = arith.constant 0 : index
    %swap3A_1428 = arith.constant 0 : index
    %swap3A_1429 = vector.load %arg3[%swap3A_1426, %swap3A_1427, %swap3A_1428] : memref<1x1024x128xf32, #tpu.memory_space<vmem>>, vector<1x1024x128xf32>
    %swap3A_1430 = vector.shape_cast %swap3A_1429 : vector<1x1024x128xf32> to vector<1024x128xf32>
    %swap3A_1431 = vector.shape_cast %select_n3A_1425 : vector<1024x128xf32> to vector<1x1024x128xf32>
    tpu.vector_store %arg3[%swap3A_1426, %swap3A_1427, %swap3A_1428], %swap3A_1431 {strides = array<i32>} : memref<1x1024x128xf32, #tpu.memory_space<vmem>>, vector<1x1024x128xf32>,
    return
  }
  func.func @transform_0(%arg0: i32) -> (i32, i32) {
    %c0_i32 = arith.constant 0 : i32
    %c0_i32_0 = arith.constant 0 : i32
    %c0_i32_1 = arith.constant 0 : i32
    return %c0_i32, %c0_i32_0 : i32, i32
  }
  func.func @transform_1(%arg0: i32) -> (i32, i32, i32) {
    %c0_i32 = arith.constant 0 : i32
    %c0_i32_0 = arith.constant 0 : i32
    %c0_i32_1 = arith.constant 0 : i32
    return %arg0, %c0_i32, %c0_i32_0 : i32, i32, i32
  }
  func.func @transform_2(%arg0: i32) -> (i32, i32, i32) {
    %c0_i32 = arith.constant 0 : i32
    %c0_i32_0 = arith.constant 0 : i32
    %c0_i32_1 = arith.constant 0 : i32
    return %arg0, %c0_i32, %c0_i32_0 : i32, i32, i32
  }
}

</mosaic_0001>

<sc_bundles>
// kernel: sparse-core-data-format-call.1.cloned.1.call-start
scs
called_computation.1_lowered:
.L_overlay_start_0:
0x0: {  	s1 =	sld [smem:$0x3FD9]  }
0x1: {  	s2 =	sld [smem:$0x3FFE];
	_ =	sdelay $0x1  }
0x2: {  	s3 =	srdreg.scid  }
0x3: {  	s0 =	sand.u32 $0x1, s3  }
0x4: {  	s17 =	sshll.u32 s0, $0xA;
	s1 =	sadd.s32 s2, s1  }
0x5: {  	s1 =	sadd.s32 s1, s17  }
0x6: {  	[smem:$0x3FC4] =	sst s1  }
0x7: {  	_ = 	snop  }
0x8: {  	(tm) =	ssettm $0x1  }
0x9: {  	s18 =	sld [smem:$0x3FFB];
	_ =	sdelay $0x3  }
0xa: {  	_ =	strace s18  }
0xb: {  	s1 =	sld [smem:$0x3FFC];
	_ =	sdelay $0x3  }
0xc: {  	_ =	strace s1  }
0xd: {  	s1 =	sld [smem:$0x3FFD];
	_ =	sdelay $0x3  }
0xe: {  	_ =	strace s1  }
0xf: {  	_ =	strace $0x8FFFFFFF  }
0x10: {  	s19 =	sld [smem:$0x3FDB];
	_ =	sdelay $0x1  }
0x11: {  	s20 =	simm.s32 $_scs_section_size  }
0x12: {  	s4 =	simm.s32 $_size__tile_overlayer_lowered;
	s5 =	simm.s32 $_tile_overlayer_lowered  }
0x13: {  	s23 =	simm.s32 $0x1BFF;
	s22 =	sshll.u32 s5, $0x1;
	s1 =	sadd.s32 s20, s19  }
0x14: {  	s6 =	simm.s32 $0x0;
	s21 =	sshll.u32 s4, $0x1;
	s4 =	sadd.s32 s22, s1  }
0x15: {  	[timem:s6], [sflag:s23] =	dma.local [hbm:s4], s21  }
0x16: {  	_ =	swait.ge [sflag:s23], s21  }
0x17: {  	s2 =	ssub.s32 $0x0, s21;
	[sflag:s23] =	ssyncset.done $0x0  }
0x18: {  	[sflag:s23] =	ssyncadd.s32 s2;
	_ =	sdelay $0x1  }
0x19: {  	s24 =	simm.s32 $0x1B8B  }
0x1a: {  	_ =	swait.ge [sflag:s24], $0x1  }
0x1b: {  	[sflag:s24] =	ssyncset.done $0x0  }
0x1c: {  	s26 =	simm.s32 $0x1B8E;
	s25 =	sld [smem:$0x3FFE];
	[sflag:s24] =	ssyncadd.s32 $0xFFFFFFFF  }
0x1d: {  	s27 =	simm.s32 $execute0_lowered;
	[smem:$0x3FD2] =	sst s26  }
0x1e: {  	s4 =	sshll.u32 s27, $0x1;
	_ =	strace $0x80000046;
	[dreg:$0x1] =	wrdreg $0xFFFFFFFF  }
0x1f: {  	s28 =	simm.s32 $_size_execute0_lowered;
	s1 =	sadd.s32 s1, s4;
	[dreg:$0x0] =	wrdreg $0x0  }
0x20: {  	s4 =	sshll.u32 s28, $0x1;
	[dreg:$0x2] =	wrdreg s1  }
0x21: {  	[dreg:$0x3] =	wrdreg s4  }
0x22: {  	[dreg:$0x4] =	wrdreg $0xC0  }
0x23: {  	_ =	task [dreg:s6], $0x5FFFF  }
0x24: {  	[dreg:$0x1] =	wrdreg $0xFFFFFFFF  }
0x25: {  	[dreg:$0x0] =	wrdreg $0x60  }
0x26: {  	[dreg:$0x2] =	wrdreg s25  }
0x27: {  	[dreg:$0x3] =	wrdreg $0x9  }
0x28: {  	_ =	task.clear_ibuf [dreg:s6], $0x4FFFF;
	_ =	strace $0x90000046  }
0x29: {  	s29 =	simm.s32 $0x9;
	_ =	strace $0x80000048  }
0x2a: {  	_ =	swait.ge [sflag:s29], $0x1  }
0x2b: {  	[sflag:s29] =	ssyncadd.s32 $0xFFFFFFFF  }
0x2c: {  	_ =	strace $0x90000048  }
0x2d: {  	_ =	sfence  }
0x2e: {  	s30 =	sld [smem:$0x0];
	_ =	sdelay $0x2  }
0x2f: {  	s31 =	sshll.u32 s3, $0xD;
	s3 =	sshrl.u32 s3, $0x2  }
0x30: {  	s2 =	sand.u32 $0x4000, s31;
	s1 =	sadd.s32 s3, s30  }
0x31: {  	s0 =	sor.u32 s2, s0;
	s1 =	sshll.u32 s1, $0x11  }
0x32: {  	s0 =	sor.u32 s1, s0  }
0x33: {  	s0 =	sadd.s32 $0x8F2B, s0  }
0x34: {  	[sflag:s0] =	ssyncadd.remote.s32 $0x1  }
0x35: {  	_ =	sfence.sel $0xFFFF  }
0x36: {  	[dreg:$0x0] =	wrdreg $0xFFFFFFFF;
	(pc) =	sbr.abs _section_cstart, $3  }
0x37: {  	[dreg:$0x1] =	wrdreg $0xFFFFFFFF  }
0x38: {  	_ =	task.clear_ibuf [dreg:s6], $0x2FFFF;
	_ =	strace $0x9FFFFFFF  }
0x39: {  	(tm) =	ssettm $0x7FFFFFFF  }
tec
execute0_lowered:
.L_overlay_start_1:
0x0: {  	(tag) =	ssettag $0x1  }
0x1: {  	s0 =	stileid.u32  }
0x2: {  	s1 =	srdreg.scid;
	s4 =	rddreg [dreg:$0x0]  }
0x3: {  	s7 =	simm.s32 $0x1;
	s8 =	simm.s32 $0x2;
	s15 =	simm.s32 $0x0  }
0x4: {  	s9 =	simm.s32 $0x800;
	s2 =	sshll.u32 s0, $0x1;
	s1 =	sshll.u32 s1, $0x5  }
0x5: {  	s10 =	simm.s32 $0x20000;
	s11 =	simm.s32 $0x0;
	s1 =	sor.u32 s2, s1  }
0x6: {  	s16 =	simm.s32 $0x0;
	s14 =	simm.s32 $0x0;
	s2 =	sand.u32 $0x30, s1  }
0x7: {  	s3 =	sadd.s32 $0x400, s4;
	s4 =	sadd.s32 $0x100400, s4;
	s6 =	ssub.s32 $0x400, s2  }
.Ltmp0:
0x8: {  	s1 =	rddreg [dreg:$0x1];
	s5 =	sand.u32 $0x30, s6;
	(pc) =	sbr.rel .LBB1_1-.Ltmp0, $4  }
0x9: {  	_ =	strace $0x80000047;
	s12 =	smov.u32 s2;
	p0 =	sne.s32 s5, $0x0  }
0xa: {  	s6 =	sshrl.u32 s6, $0x6;
	s5 =	simm.s32 $0x1;
	s7 =	simm.s32 @!p0 $0x0  }
0xb: {  	[sflag:s5] =	ssyncpa.u1 $0x0;
	s6 =	sadd.s32 s7, s6;
	s7 =	sand.u32 $0x7, s0  }
0xc: {  	[sflag:s8] =	ssyncpa.u1 $0x0;
	s8 =	sadd.s32 $0x1, s6;
	s13 =	smov.u32 s7  }
.LBB1_7:
0xd: {  	s17 =	sadd.s32 $0x40, s12  }
0xe: {  	s15 =	sadd.s32 $0x8, s13;
	s19 =	smov.u32 s13;
	p1 =	sgt.s32 s17, $0x3FF  }
0xf: {  	s19 =	smov.u32 @p1 s15  }
0x10: {  	s17 =	smov.u32 @p1 s2;
	p1 =	sgt.s32 s19, $0x7  }
0x11: {  	s19 =	smov.u32 @p1 s7;
	p1 =	sne.s32 s14, s8  }
.Ltmp1:
0x12: {  	p0 =	slt.u32 s14, $0x2;
	(pc) =	sbr.rel @!p1 .LBB1_8-.Ltmp1, $4  }
0x13: {  	s18 =	simm.s32 @!p0 $0x2  }
0x14: {  	s16 =	smov.u32 s13;
	s11 =	sadd.s32 $0x4000, s11;
	_ =	swait.ge @!p0 [sflag:s18], $0x4000  }
0x15: {  	s15 =	smov.u32 s12;
	[sflag:s18] =	ssyncset.done @!p0 $0x0;
	s12 =	smov.u32 s17  }
0x16: {  	s14 =	sadd.s32 $0x1, s14;
	[sflag:s18] =	ssyncadd.s32 @!p0 $0xFFFFC000;
	s13 =	smov.u32 s19  }
.LBB1_1:
0x17: {  	p0 =	sge.u32 s14, s6  }
0x18: {  	s31 =	sadd.s32 $0xFFFFFFFF, s14;
	s17 =	sxor.u32 @!p0 $0xFFFFFFFF, s14;
	s18 =	sshll.u32 @!p0 s13, $0x11  }
0x19: {  	s19 =	sshll.u32 @!p0 s12, $0x7;
	s17 =	sshll.u32 @!p0 s17, $0xE;
	s18 =	sadd.s32 @!p0 s3, s18  }
0x1a: {  	s17 =	sand.u32 @!p0 $0x4000, s17;
	s18 =	sadd.s32 @!p0 s19, s18;
	s19 =	simm.s32 @!p0 $0x0  }
0x1b: {  	[tilespmem:s17], [sflag:$0x1] =	stream.linear.gather @!p0 [hbm4b:s18+s19], $0x4000, $0x38;
	[tilespmem:$0x10000] =	vst v63  }
0x1c: {  	p0 =	sge.u32 s31, s6  }
.Ltmp2:
0x1d: {  	_ = 	snop;
	(pc) =	sbr.rel @p0 .LBB1_7-.Ltmp2, $1  }
0x1e: {  	_ =	sdelay $0x3  }
0x1f: {  	s18 =	sand.u32 $0x4000, s11  }
0x20: {  	_ =	swait.ge [sflag:s5], $0x4000;
	s20 =	sshll.u32 s14, $0xE;
	s17 =	sor.u32 $0x8040, s18  }
0x21: {  	s19 =	sor.u32 $0x40, s18;
	[sflag:s5] =	ssyncset.done $0x0;
	s31 =	sand.u32 $0x4000, s20  }
0x22: {  	s20 =	simm.s32 $0x0;
	[sflag:s5] =	ssyncadd.s32 $0xFFFFC000;
	s18 =	sor.u32 $0x8000, s31  }
.LBB1_3:
0x23: {  	v0 =	vmov s19;
	_ =	sdelay $0x3  }
0x24: {  	s22 =	simm.s32 $0x0  }
0x25: {  	v6 =	vld.idx.msk [tilespmem:v0+s22+$0x30 ss:$0x1], $0xffff  }
0x26: {  	v7 =	vld.idx.msk [tilespmem:v0+s22+$0xFFFFFFC0 ss:$0x1], $0xffff  }
0x27: {  	v5 =	vld.idx.msk [tilespmem:v0+s22+$0xFFFFFFD0 ss:$0x1], $0xffff  }
0x28: {  	v4 =	vld.idx.msk [tilespmem:v0+s22+$0xFFFFFFE0 ss:$0x1], $0xffff  }
0x29: {  	v3 =	vld.idx.msk [tilespmem:v0+s22+$0xFFFFFFF0 ss:$0x1], $0xffff  }
0x2a: {  	v1 =	vld.idx.msk [tilespmem:v0+s22+$0x0 ss:$0x1], $0xffff  }
0x2b: {  	v2 =	vld.idx.msk [tilespmem:v0+s22+$0x10 ss:$0x1], $0xffff;
	[tilespmem:s17+$0x30] =	vst v6  }
0x2c: {  	s21 =	simm.s32 $0x80;
	s23 =	simm.s32 $0x400;
	[tilespmem:s17+$0xFFFFFFC0] =	vst v7;
	v6 =	vld.idx.msk [tilespmem:v0+s22+$0x20 ss:$0x1], $0xffff;
	s22 =	smov.u32 s17  }
.LBB1_4:
0x2d: {  	p0 =	sne.s32 s23, $0xE00;
	v7 =	vld.idx.msk [tilespmem:v0+s21+$0x30 ss:$0x1], $0xffff;
	[tilespmem:s22+$0xFFFFFFD0] =	vst v5  }
0x2e: {  	v8 =	vld.idx.msk [tilespmem:v0+s21+$0xFFFFFFC0 ss:$0x1], $0xffff;
	[tilespmem:s22+$0xFFFFFFE0] =	vst v4  }
0x2f: {  	v5 =	vld.idx.msk [tilespmem:v0+s21+$0xFFFFFFD0 ss:$0x1], $0xffff;
	[tilespmem:s22+$0xFFFFFFF0] =	vst v3  }
.Ltmp3:
0x30: {  	v4 =	vld.idx.msk [tilespmem:v0+s21+$0xFFFFFFE0 ss:$0x1], $0xffff;
	[tilespmem:s22+$0x0] =	vst v1;
	(pc) =	sbr.rel @p0 .LBB1_4-.Ltmp3, $4  }
0x31: {  	v3 =	vld.idx.msk [tilespmem:v0+s21+$0xFFFFFFF0 ss:$0x1], $0xffff;
	[tilespmem:s22+$0x10] =	vst v2  }
0x32: {  	v1 =	vld.idx.msk [tilespmem:v0+s21+$0x0 ss:$0x1], $0xffff;
	[tilespmem:s22+$0x20] =	vst v6;
	s22 =	sadd.s32 $0x800, s22  }
0x33: {  	v2 =	vld.idx.msk [tilespmem:v0+s21+$0x10 ss:$0x1], $0xffff;
	[tilespmem:s22+$0x30] =	vst v7  }
0x34: {  	[tilespmem:s22+$0xFFFFFFC0] =	vst v8;
	v6 =	vld.idx.msk [tilespmem:v0+s21+$0x20 ss:$0x1], $0xffff;
	s21 =	sshra.s32 s23, $0x2;
	s23 =	sadd.s32 $0x200, s23  }
0x35: {  	_ =	sdelay $0x2  }
0x36: {  	[tilespmem:s22+$0xFFFFFFD0] =	vst v5  }
0x37: {  	v56 =	vld.idx.msk [tilespmem:v0+s21+$0x30 ss:$0x1], $0xffff;
	[tilespmem:s22+$0xFFFFFFE0] =	vst v4  }
0x38: {  	v57 =	vld.idx.msk [tilespmem:v0+s21+$0xFFFFFFC0 ss:$0x1], $0xffff;
	[tilespmem:s22+$0xFFFFFFF0] =	vst v3  }
0x39: {  	v58 =	vld.idx.msk [tilespmem:v0+s21+$0xFFFFFFD0 ss:$0x1], $0xffff;
	[tilespmem:s22+$0x0] =	vst v1  }
0x3a: {  	v59 =	vld.idx.msk [tilespmem:v0+s21+$0xFFFFFFE0 ss:$0x1], $0xffff;
	[tilespmem:s22+$0x10] =	vst v2  }
0x3b: {  	v60 =	vld.idx.msk [tilespmem:v0+s21+$0xFFFFFFF0 ss:$0x1], $0xffff;
	s31 =	sadd.s32 $0x800, s22;
	[tilespmem:s22+$0x20] =	vst v6  }
0x3c: {  	v61 =	vld.idx.msk [tilespmem:v0+s21+$0x0 ss:$0x1], $0xffff;
	[tilespmem:s31+$0x30] =	vst v56  }
0x3d: {  	v62 =	vld.idx.msk [tilespmem:v0+s21+$0x10 ss:$0x1], $0xffff;
	s20 =	sadd.s32 $0x1, s20;
	[tilespmem:s31+$0xFFFFFFC0] =	vst v57  }
0x3e: {  	v63 =	vld.idx.msk [tilespmem:v0+s21+$0x20 ss:$0x1], $0xffff;
	p0 =	sne.s32 s20, $0x10;
	[tilespmem:s31+$0xFFFFFFD0] =	vst v58  }
.Ltmp4:
0x3f: {  	[tilespmem:s31+$0xFFFFFFE0] =	vst v59;
	(pc) =	sbr.rel @p0 .LBB1_3-.Ltmp4, $4  }
0x40: {  	[tilespmem:s31+$0xFFFFFFF0] =	vst v60  }
0x41: {  	[tilespmem:s31+$0x0] =	vst v61  }
0x42: {  	[tilespmem:s31+$0x10] =	vst v62  }
0x43: {  	s17 =	sadd.s32 $0x80, s17;
	s19 =	sadd.s32 $0x400, s19;
	[tilespmem:s31+$0x20] =	vst v63  }
.Ltmp5:
0x44: {  	(pc) =	sbr.rel .LBB1_7-.Ltmp5, $4  }
0x45: {  	s16 =	sshll.u32 s16, $0x11;
	s15 =	sshll.u32 s15, $0x4  }
0x46: {  	s15 =	sand.u32 $0x3FF0, s15;
	s16 =	sadd.s32 s4, s16  }
0x47: {  	s15 =	sadd.s32 s15, s16  }
0x48: {  	[hbm4b:s15+s9] =	stream.strided.scatter [tilespmem:s18], [sflag:$0x2], $0x4000, s10, s9, $0x38;
	[tilespmem:$0x10000] =	vst v63  }
.LBB1_8:
0x49: {  	_ =	sfence.sel $0x180000  }
0x4a: {  	s2 =	simm.s32 $0x1;
	[bflag:$0x0] =	sbarrier.arrive $0xFFFF  }
0x4b: {  	s31 =	simm.s32 $0x2;
	[sflag:s2] =	ssyncpa.u1 $0x1  }
0x4c: {  	[sflag:s31] =	ssyncpa.u1 $0x1  }
0x4d: {  	p0 =	sne.s32 s0, $0x0;
	_ =	strace $0x90000047  }
0x4e: {  	s0 =	sadd.s32 @!p0 $0x100000, s1;
	[bflag:$0x2] =	sbarrier.arrive $0xFFFF  }
0x4f: {  	[sflag:s0] =	ssyncadd.tile.s32 @!p0 $0x1;
	_ =	shalt  }
.Lfunc_end1:
_tile_overlayer_lowered:
.L_overlay_start_2:
0x50: {  	(tag) =	ssettag $0x2  }
0x51: {  	s0 =	rddreg [dreg:$0x0];
	s2 =	stileid.u32  }
0x52: {  	s1 =	rddreg [dreg:$0x1];
	p0 =	sne.s32 s2, $0x0  }
0x53: {  	s3 =	rddreg [dreg:$0x2];
	[bflag:$0x3] =	sbarrier.arrive $0xFFFF;
	s2 =	simm.s32 @!p0 $0x1C01  }
0x54: {  	[timem:s3], [sflag:s2] =	dma.local @!p0 [hbm:s0], s1  }
0x55: {  	s0 =	simm.s32 @!p0 $0x1  }
0x56: {  	_ =	swait.ge @!p0 [sflag:s0], s1  }
0x57: {  	s1 =	ssub.s32 @!p0 $0x0, s1;
	[sflag:s0] =	ssyncset.done @!p0 $0x0  }
0x58: {  	[sflag:s0] =	ssyncadd.s32 @!p0 s1  }
0x59: {  	[bflag:$0x3] =	sbarrier.arrive $0xFFFF  }
0x5a: {  	_ =	shalt  }

// kernel: sparse-core-data-format-call.cloned.1.call-start
scs
called_computation_lowered:
.L_overlay_start_0:
0x0: {  	s1 =	sld [smem:$0x3FD9]  }
0x1: {  	s2 =	sld [smem:$0x3FFE];
	_ =	sdelay $0x1  }
0x2: {  	s3 =	srdreg.scid  }
0x3: {  	s0 =	sand.u32 $0x1, s3  }
0x4: {  	s17 =	sshll.u32 s0, $0xA;
	s1 =	sadd.s32 s2, s1  }
0x5: {  	s1 =	sadd.s32 s1, s17  }
0x6: {  	[smem:$0x3FC4] =	sst s1  }
0x7: {  	_ = 	snop  }
0x8: {  	(tm) =	ssettm $0x1  }
0x9: {  	s18 =	sld [smem:$0x3FFB];
	_ =	sdelay $0x3  }
0xa: {  	_ =	strace s18  }
0xb: {  	s1 =	sld [smem:$0x3FFC];
	_ =	sdelay $0x3  }
0xc: {  	_ =	strace s1  }
0xd: {  	s1 =	sld [smem:$0x3FFD];
	_ =	sdelay $0x3  }
0xe: {  	_ =	strace s1  }
0xf: {  	_ =	strace $0x8FFFFFFF  }
0x10: {  	s19 =	sld [smem:$0x3FDB];
	_ =	sdelay $0x1  }
0x11: {  	s20 =	simm.s32 $_scs_section_size  }
0x12: {  	s4 =	simm.s32 $_size__tile_overlayer_lowered;
	s5 =	simm.s32 $_tile_overlayer_lowered  }
0x13: {  	s23 =	simm.s32 $0x1BFF;
	s22 =	sshll.u32 s5, $0x1;
	s1 =	sadd.s32 s20, s19  }
0x14: {  	s6 =	simm.s32 $0x0;
	s21 =	sshll.u32 s4, $0x1;
	s4 =	sadd.s32 s22, s1  }
0x15: {  	[timem:s6], [sflag:s23] =	dma.local [hbm:s4], s21  }
0x16: {  	_ =	swait.ge [sflag:s23], s21  }
0x17: {  	s2 =	ssub.s32 $0x0, s21;
	[sflag:s23] =	ssyncset.done $0x0  }
0x18: {  	[sflag:s23] =	ssyncadd.s32 s2;
	_ =	sdelay $0x1  }
0x19: {  	s24 =	simm.s32 $0x1B8B  }
0x1a: {  	_ =	swait.ge [sflag:s24], $0x1  }
0x1b: {  	[sflag:s24] =	ssyncset.done $0x0  }
0x1c: {  	s26 =	simm.s32 $0x1B8E;
	s25 =	sld [smem:$0x3FFE];
	[sflag:s24] =	ssyncadd.s32 $0xFFFFFFFF  }
0x1d: {  	s27 =	simm.s32 $execute0_lowered;
	[smem:$0x3FD2] =	sst s26  }
0x1e: {  	s4 =	sshll.u32 s27, $0x1;
	_ =	strace $0x80000049;
	[dreg:$0x1] =	wrdreg $0xFFFFFFFF  }
0x1f: {  	s28 =	simm.s32 $_size_execute0_lowered;
	s1 =	sadd.s32 s1, s4;
	[dreg:$0x0] =	wrdreg $0x0  }
0x20: {  	s4 =	sshll.u32 s28, $0x1;
	[dreg:$0x2] =	wrdreg s1  }
0x21: {  	[dreg:$0x3] =	wrdreg s4  }
0x22: {  	[dreg:$0x4] =	wrdreg $0xC0  }
0x23: {  	_ =	task [dreg:s6], $0x5FFFF  }
0x24: {  	[dreg:$0x1] =	wrdreg $0xFFFFFFFF  }
0x25: {  	[dreg:$0x0] =	wrdreg $0x60  }
0x26: {  	[dreg:$0x2] =	wrdreg s25  }
0x27: {  	[dreg:$0x3] =	wrdreg $0x9  }
0x28: {  	_ =	task.clear_ibuf [dreg:s6], $0x4FFFF;
	_ =	strace $0x90000049  }
0x29: {  	s29 =	simm.s32 $0x9;
	_ =	strace $0x8000004B  }
0x2a: {  	_ =	swait.ge [sflag:s29], $0x1  }
0x2b: {  	[sflag:s29] =	ssyncadd.s32 $0xFFFFFFFF  }
0x2c: {  	_ =	strace $0x9000004B  }
0x2d: {  	_ =	sfence  }
0x2e: {  	s30 =	sld [smem:$0x0];
	_ =	sdelay $0x2  }
0x2f: {  	s31 =	sshll.u32 s3, $0xD;
	s3 =	sshrl.u32 s3, $0x2  }
0x30: {  	s2 =	sand.u32 $0x4000, s31;
	s1 =	sadd.s32 s3, s30  }
0x31: {  	s0 =	sor.u32 s2, s0;
	s1 =	sshll.u32 s1, $0x11  }
0x32: {  	s0 =	sor.u32 s1, s0  }
0x33: {  	s0 =	sadd.s32 $0x8F2B, s0  }
0x34: {  	[sflag:s0] =	ssyncadd.remote.s32 $0x1  }
0x35: {  	_ =	sfence.sel $0xFFFF  }
0x36: {  	[dreg:$0x0] =	wrdreg $0xFFFFFFFF;
	(pc) =	sbr.abs _section_cstart, $3  }
0x37: {  	[dreg:$0x1] =	wrdreg $0xFFFFFFFF  }
0x38: {  	_ =	task.clear_ibuf [dreg:s6], $0x2FFFF;
	_ =	strace $0x9FFFFFFF  }
0x39: {  	(tm) =	ssettm $0x7FFFFFFF  }
tec
execute0_lowered:
.L_overlay_start_1:
0x0: {  	(tag) =	ssettag $0x1  }
0x1: {  	s1 =	rddreg [dreg:$0x0]  }
0x2: {  	s0 =	rddreg [dreg:$0x1];
	s3 =	srdreg.scid  }
0x3: {  	_ =	strace $0x8000004A;
	s5 =	simm.s32 $0x1;
	s7 =	simm.s32 $0x2  }
0x4: {  	s13 =	simm.s32 $0x0;
	p0 =	por $0x0, $0x0;
	s8 =	simm.s32 $0x400  }
0x5: {  	s14 =	simm.s32 $0x0;
	s15 =	simm.s32 $0x0;
	s10 =	simm.s32 $0x0  }
.Ltmp0:
0x6: {  	s2 =	sadd.s32 $0x400, s1;
	s4 =	sshll.u32 s3, $0x4;
	(pc) =	sbr.rel .LBB1_1-.Ltmp0, $4  }
0x7: {  	s3 =	sadd.s32 $0x100400, s1;
	s1 =	stileid.u32;
	s4 =	sand.u32 $0x10, s4  }
0x8: {  	s9 =	simm.s32 $0x0;
	[sflag:s5] =	ssyncpa.u1 $0x0;
	s6 =	sor.u32 s1, s4  }
0x9: {  	[sflag:s7] =	ssyncpa.u1 $0x0;
	s4 =	sand.u32 $0x7, s1;
	s6 =	sshrl.u32 s6, $0x3  }
0xa: {  	s7 =	simm.s32 $0x80;
	s12 =	smov.u32 s4;
	s11 =	smov.u32 s6  }
.LBB1_5:
0xb: {  	s16 =	sadd.s32 $0x80, s10  }
0xc: {  	s13 =	sadd.s32 $0x4, s11;
	s17 =	smov.u32 s11;
	p2 =	sgt.s32 s16, $0x3FF  }
0xd: {  	s17 =	smov.u32 @p2 s13  }
0xe: {  	s19 =	smov.u32 s12;
	s13 =	sadd.s32 $0x8, s12;
	p3 =	sgt.s32 s17, $0x7  }
0xf: {  	p1 =	slt.u32 s9, $0x2;
	s19 =	smov.u32 @p3 s13  }
0x10: {  	s9 =	sadd.s32 $0x1, s9;
	s16 =	simm.s32 @p2 $0x0;
	p2 =	sgt.s32 s19, $0x7  }
0x11: {  	s19 =	smov.u32 @p2 s4;
	p2 =	sne.s32 s9, $0x12  }
.Ltmp1:
0x12: {  	s18 =	simm.s32 @!p1 $0x2;
	(pc) =	sbr.rel @!p2 .LBB1_6-.Ltmp1, $4  }
0x13: {  	s14 =	smov.u32 s11;
	_ =	swait.ge @!p1 [sflag:s18], $0x4000  }
0x14: {  	s15 =	smov.u32 s12;
	p0 =	por !p0, !p0;
	[sflag:s18] =	ssyncset.done @!p1 $0x0  }
0x15: {  	s17 =	smov.u32 @p3 s6;
	s13 =	smov.u32 s10;
	[sflag:s18] =	ssyncadd.s32 @!p1 $0xFFFFC000  }
0x16: {  	s10 =	smov.u32 s16;
	s11 =	smov.u32 s17;
	s12 =	smov.u32 s19  }
.LBB1_1:
0x17: {  	p1 =	sgt.u32 s9, $0xF  }
0x18: {  	s16 =	sxor.u32 @!p1 $0xFFFFFFFF, s9;
	s17 =	sshll.u32 @!p1 s12, $0x11  }
0x19: {  	s18 =	sshll.u32 @!p1 s11, $0xE;
	s19 =	sshll.u32 @!p1 s10, $0x4;
	s17 =	sadd.s32 @!p1 s2, s17  }
0x1a: {  	s16 =	sshll.u32 @!p1 s16, $0xE;
	s19 =	sand.u32 @!p1 $0x3FF0, s19;
	s17 =	sadd.s32 @!p1 s18, s17  }
0x1b: {  	s16 =	sand.u32 @!p1 $0x4000, s16;
	s18 =	simm.s32 @!p1 $0x0;
	s17 =	sadd.s32 @!p1 s19, s17  }
0x1c: {  	[tilespmem:s16], [sflag:$0x1] =	stream.linear.gather @!p1 [hbm4b:s17+s18], $0x4000, $0x38;
	[tilespmem:$0x10000] =	vst v63  }
0x1d: {  	p1 =	seq.s32 s9, $0x0  }
0x1e: {  	p2 =	seq.s32 @!p1 s9, $0x11  }
0x1f: {  	p1 =	por p1, p2  }
.Ltmp2:
0x20: {  	_ = 	snop;
	(pc) =	sbr.rel @p1 .LBB1_5-.Ltmp2, $1  }
0x21: {  	_ =	sdelay $0x3  }
0x22: {  	s16 =	simm.s32 $0x1  }
0x23: {  	s16 =	simm.s32 @!p0 $0x0  }
0x24: {  	s16 =	sshll.u32 s16, $0xE  }
0x25: {  	s17 =	sor.u32 $0x40, s16  }
0x26: {  	v1 =	vmov s17;
	_ =	sdelay $0x1  }
0x27: {  	_ =	swait.ge [sflag:s5], $0x4000  }
0x28: {  	[sflag:s5] =	ssyncset.done $0x0  }
0x29: {  	[sflag:s5] =	ssyncadd.s32 $0xFFFFC000;
	s17 =	simm.s32 $0x0  }
0x2a: {  	s16 =	sor.u32 $0x8070, s16;
	v7 =	vld.idx.msk [tilespmem:v1+s17+$0x30 ss:$0x1], $0xffff  }
0x2b: {  	v0 =	vmov s16;
	v8 =	vld.idx.msk [tilespmem:v1+s17+$0xFFFFFFC0 ss:$0x1], $0xffff  }
0x2c: {  	v6 =	vld.idx.msk [tilespmem:v1+s17+$0xFFFFFFD0 ss:$0x1], $0xffff  }
0x2d: {  	v4 =	vld.idx.msk [tilespmem:v1+s17+$0xFFFFFFE0 ss:$0x1], $0xffff  }
0x2e: {  	v2 =	vld.idx.msk [tilespmem:v1+s17+$0xFFFFFFF0 ss:$0x1], $0xffff  }
0x2f: {  	s31 =	sshll.u32 s9, $0xE;
	v3 =	vld.idx.msk [tilespmem:v1+s17+$0x0 ss:$0x1], $0xffff  }
0x30: {  	s16 =	sand.u32 $0x4000, s31;
	v5 =	vld.idx.msk [tilespmem:v1+s17+$0x10 ss:$0x1], $0xffff;
	[tilespmem:v0+s17+$0x0 ss:$0x1] =	vst.idx.msk $0xffff, v7  }
0x31: {  	s18 =	simm.s32 $0x80;
	s19 =	simm.s32 $0x400;
	s16 =	sor.u32 $0x8000, s16;
	[tilespmem:v0+s17+$0xFFFFFF90 ss:$0x1] =	vst.idx.msk $0xffff, v8;
	v7 =	vld.idx.msk [tilespmem:v1+s17+$0x20 ss:$0x1], $0xffff  }
.LBB1_3:
0x32: {  	p1 =	sne.s32 s19, $0xFE00;
	v8 =	vld.idx.msk [tilespmem:v1+s18+$0x30 ss:$0x1], $0xffff;
	[tilespmem:v0+s17+$0xFFFFFFA0 ss:$0x1] =	vst.idx.msk $0xffff, v6  }
0x33: {  	v9 =	vld.idx.msk [tilespmem:v1+s18+$0xFFFFFFC0 ss:$0x1], $0xffff;
	[tilespmem:v0+s17+$0xFFFFFFB0 ss:$0x1] =	vst.idx.msk $0xffff, v4  }
0x34: {  	v6 =	vld.idx.msk [tilespmem:v1+s18+$0xFFFFFFD0 ss:$0x1], $0xffff;
	[tilespmem:v0+s17+$0xFFFFFFC0 ss:$0x1] =	vst.idx.msk $0xffff, v2  }
.Ltmp3:
0x35: {  	v4 =	vld.idx.msk [tilespmem:v1+s18+$0xFFFFFFE0 ss:$0x1], $0xffff;
	[tilespmem:v0+s17+$0xFFFFFFD0 ss:$0x1] =	vst.idx.msk $0xffff, v3;
	(pc) =	sbr.rel @p1 .LBB1_3-.Ltmp3, $4  }
0x36: {  	v2 =	vld.idx.msk [tilespmem:v1+s18+$0xFFFFFFF0 ss:$0x1], $0xffff;
	[tilespmem:v0+s17+$0xFFFFFFE0 ss:$0x1] =	vst.idx.msk $0xffff, v5  }
0x37: {  	v3 =	vld.idx.msk [tilespmem:v1+s18+$0x0 ss:$0x1], $0xffff;
	[tilespmem:v0+s17+$0xFFFFFFF0 ss:$0x1] =	vst.idx.msk $0xffff, v7;
	s17 =	smov.u32 s18  }
0x38: {  	v5 =	vld.idx.msk [tilespmem:v1+s17+$0x10 ss:$0x1], $0xffff;
	[tilespmem:v0+s17+$0x0 ss:$0x1] =	vst.idx.msk $0xffff, v8  }
0x39: {  	s18 =	sshra.s32 s19, $0x2;
	s19 =	sadd.s32 $0x200, s19;
	[tilespmem:v0+s17+$0xFFFFFF90 ss:$0x1] =	vst.idx.msk $0xffff, v9;
	v7 =	vld.idx.msk [tilespmem:v1+s17+$0x20 ss:$0x1], $0xffff  }
0x3a: {  	_ =	sdelay $0x3  }
0x3b: {  	[tilespmem:v0+s17+$0xFFFFFFA0 ss:$0x1] =	vst.idx.msk $0xffff, v6  }
0x3c: {  	v56 =	vld.idx.msk [tilespmem:v1+s18+$0x30 ss:$0x1], $0xffff;
	[tilespmem:v0+s17+$0xFFFFFFB0 ss:$0x1] =	vst.idx.msk $0xffff, v4  }
0x3d: {  	v57 =	vld.idx.msk [tilespmem:v1+s18+$0xFFFFFFC0 ss:$0x1], $0xffff;
	[tilespmem:v0+s17+$0xFFFFFFC0 ss:$0x1] =	vst.idx.msk $0xffff, v2  }
0x3e: {  	v58 =	vld.idx.msk [tilespmem:v1+s18+$0xFFFFFFD0 ss:$0x1], $0xffff;
	[tilespmem:v0+s17+$0xFFFFFFD0 ss:$0x1] =	vst.idx.msk $0xffff, v3  }
0x3f: {  	v59 =	vld.idx.msk [tilespmem:v1+s18+$0xFFFFFFE0 ss:$0x1], $0xffff;
	[tilespmem:v0+s17+$0xFFFFFFE0 ss:$0x1] =	vst.idx.msk $0xffff, v5  }
0x40: {  	v60 =	vld.idx.msk [tilespmem:v1+s18+$0xFFFFFFF0 ss:$0x1], $0xffff;
	[tilespmem:v0+s17+$0xFFFFFFF0 ss:$0x1] =	vst.idx.msk $0xffff, v7  }
0x41: {  	v61 =	vld.idx.msk [tilespmem:v1+s18+$0x0 ss:$0x1], $0xffff;
	[tilespmem:v0+s18+$0x0 ss:$0x1] =	vst.idx.msk $0xffff, v56  }
0x42: {  	v62 =	vld.idx.msk [tilespmem:v1+s18+$0x10 ss:$0x1], $0xffff;
	[tilespmem:v0+s18+$0xFFFFFF90 ss:$0x1] =	vst.idx.msk $0xffff, v57  }
0x43: {  	v63 =	vld.idx.msk [tilespmem:v1+s18+$0x20 ss:$0x1], $0xffff;
	[tilespmem:v0+s18+$0xFFFFFFA0 ss:$0x1] =	vst.idx.msk $0xffff, v58  }
0x44: {  	[tilespmem:v0+s18+$0xFFFFFFB0 ss:$0x1] =	vst.idx.msk $0xffff, v59  }
.Ltmp4:
0x45: {  	s15 =	sshll.u32 s15, $0x11;
	[tilespmem:v0+s18+$0xFFFFFFC0 ss:$0x1] =	vst.idx.msk $0xffff, v60;
	(pc) =	sbr.rel .LBB1_5-.Ltmp4, $4  }
0x46: {  	s13 =	sshll.u32 s13, $0x7;
	s14 =	sshll.u32 s14, $0x4;
	s15 =	sadd.s32 s3, s15;
	[tilespmem:v0+s18+$0xFFFFFFD0 ss:$0x1] =	vst.idx.msk $0xffff, v61  }
0x47: {  	s14 =	sand.u32 $0x70, s14;
	s13 =	sadd.s32 s13, s15;
	[tilespmem:v0+s18+$0xFFFFFFE0 ss:$0x1] =	vst.idx.msk $0xffff, v62  }
0x48: {  	s13 =	sadd.s32 s14, s13;
	[tilespmem:v0+s18+$0xFFFFFFF0 ss:$0x1] =	vst.idx.msk $0xffff, v63  }
0x49: {  	[hbm4b:s13+s7] =	stream.strided.scatter [tilespmem:s16], [sflag:$0x2], $0x4000, s8, s7, $0x38;
	[tilespmem:$0x10000] =	vst v63  }
.LBB1_6:
0x4a: {  	_ =	sfence.sel $0x180000  }
0x4b: {  	s2 =	simm.s32 $0x1;
	[bflag:$0x0] =	sbarrier.arrive $0xFFFF  }
0x4c: {  	s31 =	simm.s32 $0x2;
	[sflag:s2] =	ssyncpa.u1 $0x1  }
0x4d: {  	[sflag:s31] =	ssyncpa.u1 $0x1  }
0x4e: {  	p0 =	sne.s32 s1, $0x0;
	_ =	strace $0x9000004A  }
0x4f: {  	s0 =	sadd.s32 @!p0 $0x100000, s0;
	[bflag:$0x2] =	sbarrier.arrive $0xFFFF  }
0x50: {  	[sflag:s0] =	ssyncadd.tile.s32 @!p0 $0x1;
	_ =	shalt  }
.Lfunc_end1:
_tile_overlayer_lowered:
.L_overlay_start_2:
0x51: {  	(tag) =	ssettag $0x2  }
0x52: {  	s0 =	rddreg [dreg:$0x0];
	s2 =	stileid.u32  }
0x53: {  	s1 =	rddreg [dreg:$0x1];
	p0 =	sne.s32 s2, $0x0  }
0x54: {  	s3 =	rddreg [dreg:$0x2];
	[bflag:$0x3] =	sbarrier.arrive $0xFFFF;
	s2 =	simm.s32 @!p0 $0x1C01  }
0x55: {  	[timem:s3], [sflag:s2] =	dma.local @!p0 [hbm:s0], s1  }
0x56: {  	s0 =	simm.s32 @!p0 $0x1  }
0x57: {  	_ =	swait.ge @!p0 [sflag:s0], s1  }
0x58: {  	s1 =	ssub.s32 @!p0 $0x0, s1;
	[sflag:s0] =	ssyncset.done @!p0 $0x0  }
0x59: {  	[sflag:s0] =	ssyncadd.s32 @!p0 s1  }
0x5a: {  	[bflag:$0x3] =	sbarrier.arrive $0xFFFF  }
0x5b: {  	_ =	shalt  }

</sc_bundles>
